<compile_context>
chip_gen: v7x
topology: tpu7x:2x2x1
jax: 0.10.2.dev20260603
libtpu: 0.0.44.dev20260713+nightly
codegen_flags: <defaults>
</compile_context>

<pallas_src>
import functools

import jax
import jax.numpy as jnp
from jax import lax
from jax.experimental import pallas as pl
from jax.experimental.pallas import tpu as pltpu, tpu_sc as plsc

C = 96
R = 256
N = 524288

BZ = 16

NUM_WORKERS = 32
PTS_PER_WORKER = N // NUM_WORKERS
CHUNK = 2048
NUM_CHUNKS = PTS_PER_WORKER // CHUNK
GROUPS = CHUNK // 16
IDX_PER_CHUNK = 4 * CHUNK


def _build_volume_body(lz_ref, ly_ref, lx0_ref, lx1_ref, out_ref):
    gstep = pl.program_id(0)
    lz = lz_ref[...]
    ly = ly_ref[...]
    lx0 = lx0_ref[...]
    lx1 = lx1_ref[...]
    lane = lax.broadcasted_iota(jnp.int32, (1, R), 1)
    for b in range(BZ):
        onehot = (lane == gstep * BZ + b).astype(jnp.float32)
        wcol = jnp.sum(lz * onehot, axis=1, keepdims=True)
        w = wcol * ly
        dn = (((0,), (0,)), ((), ()))
        g0 = lax.dot_general(w, lx0, dn, preferred_element_type=jnp.float32)
        g1 = pltpu.roll(g0, R - 1, 1)
        u0 = lax.bitcast_convert_type(g0, jnp.uint32)
        u1 = lax.bitcast_convert_type(g1, jnp.uint32)
        word = ((u0 + 0x8000) >> 16) | ((u1 + 0x8000) & jnp.uint32(0xFFFF0000))
        out_ref[pl.ds((b * 2 + 0) * 256, 256), :] = word[:, 0:128]
        out_ref[pl.ds((b * 2 + 1) * 256, 256), :] = word[:, 128:256]


def _build_volume(line_z, line_y, line_x):
    lx1 = jnp.concatenate([line_x[:, 1:], line_x[:, -1:]], axis=1)
    grid = R // BZ
    return pl.pallas_call(
        _build_volume_body,
        grid=(grid,),
        in_specs=[
            pl.BlockSpec((C, R), lambda g: (0, 0)),
            pl.BlockSpec((C, R), lambda g: (0, 0)),
            pl.BlockSpec((C, R), lambda g: (0, 0)),
            pl.BlockSpec((C, R), lambda g: (0, 0)),
        ],
        out_specs=pl.BlockSpec((BZ * 2 * R, 128), lambda g: (g, 0)),
        out_shape=jax.ShapeDtypeStruct((2 * R * R, 128), jnp.uint32),
    )(line_z, line_y, line_x, lx1)


def _sample_body(cx_hbm, cy_hbm, cz_hbm, vol_hbm, out_hbm, *scratch):
    bufs = (scratch[0:9], scratch[9:18])
    sems = scratch[18:20]
    wid = lax.axis_index("s") * 2 + lax.axis_index("c")
    base = wid * PTS_PER_WORKER

    def axis_prep(coord):
        pos = (coord + 1.0) * ((R - 1) * 0.5)
        i0 = jnp.clip(pos.astype(jnp.int32), 0, R - 2)
        w = pos - i0.astype(jnp.float32)
        return i0, w

    def unpack_lo(v):
        return plsc.bitcast(v << 16, jnp.float32)

    def unpack_hi(v):
        return plsc.bitcast(v & jnp.int32(-65536), jnp.float32)

    def stage_and_fire(k, buf, sem):
        cx_v, cy_v, cz_v, wx_v, wy_v, wz_v, idx_v, val_v, _ = buf
        off = base + k * CHUNK
        pltpu.sync_copy(cx_hbm.at[pl.ds(off, CHUNK)], cx_v)
        pltpu.sync_copy(cy_hbm.at[pl.ds(off, CHUNK)], cy_v)
        pltpu.sync_copy(cz_hbm.at[pl.ds(off, CHUNK)], cz_v)

        def pass_a(g, _):
            s = pl.ds(g * 16, 16)
            ix0, wx = axis_prep(cx_v[s])
            iy0, wy = axis_prep(cy_v[s])
            iz0, wz = axis_prep(cz_v[s])
            wx_v[s] = wx
            wy_v[s] = wy
            wz_v[s] = wz
            bw = (iz0 << 16) + ((ix0 >> 7) << 15) + (iy0 << 7) + (ix0 & 127)
            idx_v[pl.ds(0 * CHUNK + g * 16, 16)] = bw
            idx_v[pl.ds(1 * CHUNK + g * 16, 16)] = bw + 128
            idx_v[pl.ds(2 * CHUNK + g * 16, 16)] = bw + 65536
            idx_v[pl.ds(3 * CHUNK + g * 16, 16)] = bw + 65536 + 128
            return 0

        lax.fori_loop(0, GROUPS, pass_a, 0)
        return pltpu.async_copy(vol_hbm.at[idx_v], val_v, sem)

    def finish(k, buf, handle):
        _, _, _, wx_v, wy_v, wz_v, idx_v, val_v, out_v = buf
        off = base + k * CHUNK
        handle.wait()

        def pass_b(g, _):
            s = pl.ds(g * 16, 16)
            v00 = val_v[pl.ds(0 * CHUNK + g * 16, 16)]
            v01 = val_v[pl.ds(1 * CHUNK + g * 16, 16)]
            v10 = val_v[pl.ds(2 * CHUNK + g * 16, 16)]
            v11 = val_v[pl.ds(3 * CHUNK + g * 16, 16)]
            wx = wx_v[s]
            wy = wy_v[s]
            wz = wz_v[s]

            def xl(v):
                f0 = unpack_lo(v)
                f1 = unpack_hi(v)
                return f0 + wx * (f1 - f0)

            q00 = xl(v00)
            q01 = xl(v01)
            q10 = xl(v10)
            q11 = xl(v11)
            r0 = q00 + wy * (q01 - q00)
            r1 = q10 + wy * (q11 - q10)
            out_v[s] = r0 + wz * (r1 - r0)
            return 0

        lax.fori_loop(0, GROUPS, pass_b, 0)
        pltpu.sync_copy(out_v, out_hbm.at[pl.ds(off, CHUNK)])

    def do_pair(kk, _):
        k0 = kk * 2
        k1 = kk * 2 + 1
        h0 = stage_and_fire(k0, bufs[0], sems[0])
        h1 = stage_and_fire(k1, bufs[1], sems[1])
        finish(k0, bufs[0], h0)
        finish(k1, bufs[1], h1)
        return 0

    lax.fori_loop(0, NUM_CHUNKS // 2, do_pair, 0)


def _chunk_scratch():
    return [
        pltpu.VMEM((CHUNK,), jnp.float32),
        pltpu.VMEM((CHUNK,), jnp.float32),
        pltpu.VMEM((CHUNK,), jnp.float32),
        pltpu.VMEM((CHUNK,), jnp.float32),
        pltpu.VMEM((CHUNK,), jnp.float32),
        pltpu.VMEM((CHUNK,), jnp.float32),
        pltpu.VMEM((IDX_PER_CHUNK,), jnp.int32),
        pltpu.VMEM((IDX_PER_CHUNK,), jnp.int32),
        pltpu.VMEM((CHUNK,), jnp.float32),
    ]


@jax.jit
def kernel(in_tensor, line_z, line_y, line_x):
    vol = _build_volume(line_z, line_y, line_x).reshape(-1).view(jnp.int32)
    mesh = plsc.VectorSubcoreMesh(core_axis_name="c", subcore_axis_name="s")
    run = functools.partial(
        pl.kernel,
        mesh=mesh,
        compiler_params=pltpu.CompilerParams(needs_layout_passes=False),
        out_type=jax.ShapeDtypeStruct((N,), jnp.float32),
        scratch_types=_chunk_scratch() + _chunk_scratch() + [
            pltpu.SemaphoreType.DMA,
            pltpu.SemaphoreType.DMA,
        ],
    )(_sample_body)
    return run(in_tensor[:, 0], in_tensor[:, 1], in_tensor[:, 2], vol)

# --- scband reference (transcript-rebuilt; emitter-appended) ---
"""Pipeline reference for scband-cpdecoding-69423851372726 (READ-ONLY COPY).

The authoritative reference and input builder live on the scoring server;
editing this copy changes nothing except your own understanding.
"""

import jax, jax.numpy as jnp
import numpy as np

C = 96
R = 256
N = 524288


def setup_inputs(seed: int = 0) -> dict:
    key = jax.random.key(seed)
    k1, k2, k3, k4 = jax.random.split(key, 4)
    in_tensor = jax.random.uniform(k1, (N, 3), dtype=jnp.float32, minval=-1.0, maxval=1.0)
    line_z = jax.random.normal(k2, (C, R), dtype=jnp.float32) * 0.1
    line_y = jax.random.normal(k3, (C, R), dtype=jnp.float32) * 0.1
    line_x = jax.random.normal(k4, (C, R), dtype=jnp.float32) * 0.1
    return {"in_tensor": in_tensor, "line_z": line_z, "line_y": line_y, "line_x": line_x}


def _sample_line(line, coords):
    # line: [C, R] 1D feature line; coords: [Npts] in [-1, 1]
    # emulates torch grid_sample(bilinear, align_corners=True) on a [1,C,R,1] grid
    Rr = line.shape[1]
    pos = (coords + 1.0) * 0.5 * (Rr - 1)
    i0f = jnp.floor(pos)
    i0 = jnp.clip(i0f, 0, Rr - 1).astype(jnp.int32)
    i1 = jnp.clip(i0 + 1, 0, Rr - 1)
    w = pos - i0f
    f0 = jnp.take(line, i0, axis=1)  # [C, Npts] gather
    f1 = jnp.take(line, i1, axis=1)  # [C, Npts] gather
    return f0 * (1.0 - w)[None, :] + f1 * w[None, :]


def reference(in_tensor, line_z, line_y, line_x):
    # line_coord = stack([z, y, x]); sample each line, product over axes, sum over components
    fz = _sample_line(line_z, in_tensor[:, 2])
    fy = _sample_line(line_y, in_tensor[:, 1])
    fx = _sample_line(line_x, in_tensor[:, 0])
    features = fz * fy * fx  # [C, Npts]
    # torch: moveaxis to [..., C] then (decoder is None) sum over last dim
    out = jnp.sum(features, axis=0)  # [Npts]
    return out

if __name__ == "__main__":
    import jax
    _d = setup_inputs()
    print(jax.jit(kernel)(*tuple(_d.values())))

</pallas_src>

<mosaic_0001>
#map = affine_map<(d0, d1) -> (0)>
module attributes {stable_mosaic.version = 14 : i64} {
  func.func @_sample_body(%arg0: i32, %arg1: i32, %arg2: memref<524288xf32, #tpu.memory_space<hbm>>, %arg3: memref<524288xf32, #tpu.memory_space<hbm>>, %arg4: memref<524288xf32, #tpu.memory_space<hbm>>, %arg5: memref<16777216xi32, #tpu.memory_space<hbm>>, %arg6: memref<524288xf32, #tpu.memory_space<hbm>>, %arg7: memref<2048xf32, #tpu.memory_space<vmem>>, %arg8: memref<2048xf32, #tpu.memory_space<vmem>>, %arg9: memref<2048xf32, #tpu.memory_space<vmem>>, %arg10: memref<2048xf32, #tpu.memory_space<vmem>>, %arg11: memref<2048xf32, #tpu.memory_space<vmem>>, %arg12: memref<2048xf32, #tpu.memory_space<vmem>>, %arg13: memref<8192xi32, #tpu.memory_space<vmem>>, %arg14: memref<8192xi32, #tpu.memory_space<vmem>>, %arg15: memref<2048xf32, #tpu.memory_space<vmem>>, %arg16: memref<2048xf32, #tpu.memory_space<vmem>>, %arg17: memref<2048xf32, #tpu.memory_space<vmem>>, %arg18: memref<2048xf32, #tpu.memory_space<vmem>>, %arg19: memref<2048xf32, #tpu.memory_space<vmem>>, %arg20: memref<2048xf32, #tpu.memory_space<vmem>>, %arg21: memref<2048xf32, #tpu.memory_space<vmem>>, %arg22: memref<8192xi32, #tpu.memory_space<vmem>>, %arg23: memref<8192xi32, #tpu.memory_space<vmem>>, %arg24: memref<2048xf32, #tpu.memory_space<vmem>>, %arg25: memref<!tpu.dma_semaphore, #tpu.memory_space<semaphore_mem>>, %arg26: memref<!tpu.dma_semaphore, #tpu.memory_space<semaphore_mem>>) attributes {dimension_semantics = [#tpu.dimension_semantics<core_parallel>, #tpu.dimension_semantics<subcore_parallel>], iteration_bounds = array<i64: 2, 16>, scalar_prefetch = 0 : i64, scratch_operands = 20 : i64, tpu.core_type = #tpu.core_type<sc_vector_subcore>, window_params = [{transform_indices = #map}, {transform_indices = #map}, {transform_indices = #map}, {transform_indices = #map}, {transform_indices = #map}]} {
    %mul3A = arith.constant 2 : i32
    %mul3A_0 = arith.muli %arg1, %mul3A : i32
    %add3A = arith.addi %mul3A_0, %arg0 : i32
    %mul3A_1 = arith.constant 16384 : i32
    %mul3A_2 = arith.muli %add3A, %mul3A_1 : i32
    %scan3A = arith.constant 0 : i32
    %scan3A_3 = arith.constant 0 : i32
    %scan3A_4 = arith.constant 4 : i32
    %scan3A_5 = arith.addi %scan3A_3, %scan3A_4 : i32
    %scan3A_6 = arith.constant 1 : i32
    %scan3A_7 = scf.for %scan3A_9 = %scan3A_3 to %scan3A_5 step %scan3A_6 iter_args(%scan3A_10 = %scan3A) -> (i32)  : i32 {
      %mul3A_11 = arith.constant 2 : i32
      %mul3A_12 = arith.muli %scan3A_9, %mul3A_11 : i32
      %mul3A_13 = arith.constant 2 : i32
      %mul3A_14 = arith.muli %scan3A_9, %mul3A_13 : i32
      %add3A_15 = arith.constant 1 : i32
      %add3A_16 = arith.addi %mul3A_14, %add3A_15 : i32
      %mul3A_17 = arith.constant 2048 : i32
      %mul3A_18 = arith.muli %mul3A_12, %mul3A_17 : i32
      %add3A_19 = arith.addi %mul3A_2, %mul3A_18 : i32
      "tpu.region"() ({
        %run_scoped3A = tpu.sem_alloc : memref<!tpu.dma_semaphore, #tpu.memory_space<semaphore_mem>>
        %dma_start3A_64 = tpu.memref_slice %arg2[%add3A_19] : memref<524288xf32, #tpu.memory_space<hbm>> -> memref<2048xf32, #tpu.memory_space<hbm>>
        %dma_start3A_65 = tpu.memref_slice %arg2[%add3A_19] : memref<524288xf32, #tpu.memory_space<hbm>> -> memref<2048xf32, #tpu.memory_space<hbm>>
        tpu.enqueue_dma source(%dma_start3A_65 : memref<2048xf32, #tpu.memory_space<hbm>>) target(%arg7 : memref<2048xf32, #tpu.memory_space<vmem>>) target_semaphore(%run_scoped3A : memref<!tpu.dma_semaphore, #tpu.memory_space<semaphore_mem>>)
        %dma_wait3A_66 = tpu.memref_slice %arg2[%add3A_19] : memref<524288xf32, #tpu.memory_space<hbm>> -> memref<2048xf32, #tpu.memory_space<hbm>>
        %dma_wait3A_67 = tpu.memref_slice %arg2[%add3A_19] : memref<524288xf32, #tpu.memory_space<hbm>> -> memref<2048xf32, #tpu.memory_space<hbm>>
        tpu.wait_dma2 semaphore(%run_scoped3A : memref<!tpu.dma_semaphore, #tpu.memory_space<semaphore_mem>>) src(%dma_wait3A_67 : memref<2048xf32, #tpu.memory_space<hbm>>) dst(%arg7 : memref<2048xf32, #tpu.memory_space<vmem>>)
        tpu.yield
      }) : () -> ()
      "tpu.region"() ({
        %run_scoped3A = tpu.sem_alloc : memref<!tpu.dma_semaphore, #tpu.memory_space<semaphore_mem>>
        %dma_start3A_64 = tpu.memref_slice %arg3[%add3A_19] : memref<524288xf32, #tpu.memory_space<hbm>> -> memref<2048xf32, #tpu.memory_space<hbm>>
        %dma_start3A_65 = tpu.memref_slice %arg3[%add3A_19] : memref<524288xf32, #tpu.memory_space<hbm>> -> memref<2048xf32, #tpu.memory_space<hbm>>
        tpu.enqueue_dma source(%dma_start3A_65 : memref<2048xf32, #tpu.memory_space<hbm>>) target(%arg8 : memref<2048xf32, #tpu.memory_space<vmem>>) target_semaphore(%run_scoped3A : memref<!tpu.dma_semaphore, #tpu.memory_space<semaphore_mem>>)
        %dma_wait3A_66 = tpu.memref_slice %arg3[%add3A_19] : memref<524288xf32, #tpu.memory_space<hbm>> -> memref<2048xf32, #tpu.memory_space<hbm>>
        %dma_wait3A_67 = tpu.memref_slice %arg3[%add3A_19] : memref<524288xf32, #tpu.memory_space<hbm>> -> memref<2048xf32, #tpu.memory_space<hbm>>
        tpu.wait_dma2 semaphore(%run_scoped3A : memref<!tpu.dma_semaphore, #tpu.memory_space<semaphore_mem>>) src(%dma_wait3A_67 : memref<2048xf32, #tpu.memory_space<hbm>>) dst(%arg8 : memref<2048xf32, #tpu.memory_space<vmem>>)
        tpu.yield
      }) : () -> ()
      "tpu.region"() ({
        %run_scoped3A = tpu.sem_alloc : memref<!tpu.dma_semaphore, #tpu.memory_space<semaphore_mem>>
        %dma_start3A_64 = tpu.memref_slice %arg4[%add3A_19] : memref<524288xf32, #tpu.memory_space<hbm>> -> memref<2048xf32, #tpu.memory_space<hbm>>
        %dma_start3A_65 = tpu.memref_slice %arg4[%add3A_19] : memref<524288xf32, #tpu.memory_space<hbm>> -> memref<2048xf32, #tpu.memory_space<hbm>>
        tpu.enqueue_dma source(%dma_start3A_65 : memref<2048xf32, #tpu.memory_space<hbm>>) target(%arg9 : memref<2048xf32, #tpu.memory_space<vmem>>) target_semaphore(%run_scoped3A : memref<!tpu.dma_semaphore, #tpu.memory_space<semaphore_mem>>)
        %dma_wait3A_66 = tpu.memref_slice %arg4[%add3A_19] : memref<524288xf32, #tpu.memory_space<hbm>> -> memref<2048xf32, #tpu.memory_space<hbm>>
        %dma_wait3A_67 = tpu.memref_slice %arg4[%add3A_19] : memref<524288xf32, #tpu.memory_space<hbm>> -> memref<2048xf32, #tpu.memory_space<hbm>>
        tpu.wait_dma2 semaphore(%run_scoped3A : memref<!tpu.dma_semaphore, #tpu.memory_space<semaphore_mem>>) src(%dma_wait3A_67 : memref<2048xf32, #tpu.memory_space<hbm>>) dst(%arg9 : memref<2048xf32, #tpu.memory_space<vmem>>)
        tpu.yield
      }) : () -> ()
      %scan3A_20 = arith.constant 0 : i32
      %scan3A_21 = arith.constant 0 : i32
      %scan3A_22 = arith.constant 128 : i32
      %scan3A_23 = arith.addi %scan3A_21, %scan3A_22 : i32
      %scan3A_24 = arith.constant 1 : i32
      %scan3A_25 = scf.for %scan3A_64 = %scan3A_21 to %scan3A_23 step %scan3A_24 iter_args(%scan3A_65 = %scan3A_20) -> (i32)  : i32 {
        %mul3A_66 = arith.constant 16 : i32
        %mul3A_67 = arith.muli %scan3A_64, %mul3A_66 : i32
        %get3A = arith.index_cast %mul3A_67 : i32 to index
        %get3A_68 = tpu.vector_load %arg7[%get3A] {strides = array<i32>} : memref<2048xf32, #tpu.memory_space<vmem>>, vector<16xf32>,
        %add3A_69 = arith.constant 1.000000e+00 : f32
        %add3A_70 = vector.broadcast %add3A_69 : f32 to vector<16xf32>
        %add3A_71 = arith.addf %get3A_68, %add3A_70 : vector<16xf32>
        %mul3A_72 = arith.constant 1.275000e+02 : f32
        %mul3A_73 = vector.broadcast %mul3A_72 : f32 to vector<16xf32>
        %mul3A_74 = arith.mulf %add3A_71, %mul3A_73 : vector<16xf32>
        %convert_element_type3A = arith.fptosi %mul3A_74 : vector<16xf32> to vector<16xi32>
        %jit3A = arith.constant 0 : i32
        %jit3A_75 = arith.constant 254 : i32
        %max3A = vector.broadcast %jit3A : i32 to vector<16xi32>
        %max3A_76 = arith.maxsi %max3A, %convert_element_type3A : vector<16xi32>
        %min3A = vector.broadcast %jit3A_75 : i32 to vector<16xi32>
        %min3A_77 = arith.minsi %min3A, %max3A_76 : vector<16xi32>
        %convert_element_type3A_78 = arith.sitofp %min3A_77 : vector<16xi32> to vector<16xf32>
        %sub3A = arith.subf %mul3A_74, %convert_element_type3A_78 : vector<16xf32>
        %get3A_79 = arith.index_cast %mul3A_67 : i32 to index
        %get3A_80 = tpu.vector_load %arg8[%get3A_79] {strides = array<i32>} : memref<2048xf32, #tpu.memory_space<vmem>>, vector<16xf32>,
        %add3A_81 = arith.constant 1.000000e+00 : f32
        %add3A_82 = vector.broadcast %add3A_81 : f32 to vector<16xf32>
        %add3A_83 = arith.addf %get3A_80, %add3A_82 : vector<16xf32>
        %mul3A_84 = arith.constant 1.275000e+02 : f32
        %mul3A_85 = vector.broadcast %mul3A_84 : f32 to vector<16xf32>
        %mul3A_86 = arith.mulf %add3A_83, %mul3A_85 : vector<16xf32>
        %convert_element_type3A_87 = arith.fptosi %mul3A_86 : vector<16xf32> to vector<16xi32>
        %jit3A_88 = arith.constant 0 : i32
        %jit3A_89 = arith.constant 254 : i32
        %max3A_90 = vector.broadcast %jit3A_88 : i32 to vector<16xi32>
        %max3A_91 = arith.maxsi %max3A_90, %convert_element_type3A_87 : vector<16xi32>
        %min3A_92 = vector.broadcast %jit3A_89 : i32 to vector<16xi32>
        %min3A_93 = arith.minsi %min3A_92, %max3A_91 : vector<16xi32>
        %convert_element_type3A_94 = arith.sitofp %min3A_93 : vector<16xi32> to vector<16xf32>
        %sub3A_95 = arith.subf %mul3A_86, %convert_element_type3A_94 : vector<16xf32>
        %get3A_96 = arith.index_cast %mul3A_67 : i32 to index
        %get3A_97 = tpu.vector_load %arg9[%get3A_96] {strides = array<i32>} : memref<2048xf32, #tpu.memory_space<vmem>>, vector<16xf32>,
        %add3A_98 = arith.constant 1.000000e+00 : f32
        %add3A_99 = vector.broadcast %add3A_98 : f32 to vector<16xf32>
        %add3A_100 = arith.addf %get3A_97, %add3A_99 : vector<16xf32>
        %mul3A_101 = arith.constant 1.275000e+02 : f32
        %mul3A_102 = vector.broadcast %mul3A_101 : f32 to vector<16xf32>
        %mul3A_103 = arith.mulf %add3A_100, %mul3A_102 : vector<16xf32>
        %convert_element_type3A_104 = arith.fptosi %mul3A_103 : vector<16xf32> to vector<16xi32>
        %jit3A_105 = arith.constant 0 : i32
        %jit3A_106 = arith.constant 254 : i32
        %max3A_107 = vector.broadcast %jit3A_105 : i32 to vector<16xi32>
        %max3A_108 = arith.maxsi %max3A_107, %convert_element_type3A_104 : vector<16xi32>
        %min3A_109 = vector.broadcast %jit3A_106 : i32 to vector<16xi32>
        %min3A_110 = arith.minsi %min3A_109, %max3A_108 : vector<16xi32>
        %convert_element_type3A_111 = arith.sitofp %min3A_110 : vector<16xi32> to vector<16xf32>
        %sub3A_112 = arith.subf %mul3A_103, %convert_element_type3A_111 : vector<16xf32>
        %swap3A = arith.index_cast %mul3A_67 : i32 to index
        %swap3A_113 = tpu.vector_load %arg10[%swap3A] {strides = array<i32>} : memref<2048xf32, #tpu.memory_space<vmem>>, vector<16xf32>,
        tpu.vector_store %arg10[%swap3A], %sub3A {strides = array<i32>} : memref<2048xf32, #tpu.memory_space<vmem>>, vector<16xf32>,
        %swap3A_114 = arith.index_cast %mul3A_67 : i32 to index
        %swap3A_115 = tpu.vector_load %arg11[%swap3A_114] {strides = array<i32>} : memref<2048xf32, #tpu.memory_space<vmem>>, vector<16xf32>,
        tpu.vector_store %arg11[%swap3A_114], %sub3A_95 {strides = array<i32>} : memref<2048xf32, #tpu.memory_space<vmem>>, vector<16xf32>,
        %swap3A_116 = arith.index_cast %mul3A_67 : i32 to index
        %swap3A_117 = tpu.vector_load %arg12[%swap3A_116] {strides = array<i32>} : memref<2048xf32, #tpu.memory_space<vmem>>, vector<16xf32>,
        tpu.vector_store %arg12[%swap3A_116], %sub3A_112 {strides = array<i32>} : memref<2048xf32, #tpu.memory_space<vmem>>, vector<16xf32>,
        %shift_left3A = arith.constant 16 : i32
        %shift_left3A_118 = vector.broadcast %shift_left3A : i32 to vector<16xi32>
        %shift_left3A_119 = arith.shli %min3A_110, %shift_left3A_118 : vector<16xi32>
        %shift_right_arithmetic3A = arith.constant 7 : i32
        %shift_right_arithmetic3A_120 = vector.broadcast %shift_right_arithmetic3A : i32 to vector<16xi32>
        %shift_right_arithmetic3A_121 = arith.shrsi %min3A_77, %shift_right_arithmetic3A_120 : vector<16xi32>
        %shift_left3A_122 = arith.constant 15 : i32
        %shift_left3A_123 = vector.broadcast %shift_left3A_122 : i32 to vector<16xi32>
        %shift_left3A_124 = arith.shli %shift_right_arithmetic3A_121, %shift_left3A_123 : vector<16xi32>
        %add3A_125 = arith.addi %shift_left3A_119, %shift_left3A_124 : vector<16xi32>
        %shift_left3A_126 = arith.constant 7 : i32
        %shift_left3A_127 = vector.broadcast %shift_left3A_126 : i32 to vector<16xi32>
        %shift_left3A_128 = arith.shli %min3A_93, %shift_left3A_127 : vector<16xi32>
        %add3A_129 = arith.addi %add3A_125, %shift_left3A_128 : vector<16xi32>
        %and3A = arith.constant 127 : i32
        %and3A_130 = vector.broadcast %and3A : i32 to vector<16xi32>
        %and3A_131 = arith.andi %min3A_77, %and3A_130 : vector<16xi32>
        %add3A_132 = arith.addi %add3A_129, %and3A_131 : vector<16xi32>
        %mul3A_133 = arith.constant 16 : i32
        %mul3A_134 = arith.muli %scan3A_64, %mul3A_133 : i32
        %add3A_135 = arith.constant 0 : i32
        %add3A_136 = arith.addi %add3A_135, %mul3A_134 : i32
        %swap3A_137 = arith.index_cast %add3A_136 : i32 to index
        %swap3A_138 = tpu.vector_load %arg13[%swap3A_137] {strides = array<i32>} : memref<8192xi32, #tpu.memory_space<vmem>>, vector<16xi32>,
        tpu.vector_store %arg13[%swap3A_137], %add3A_132 {strides = array<i32>} : memref<8192xi32, #tpu.memory_space<vmem>>, vector<16xi32>,
        %add3A_139 = arith.constant 128 : i32
        %add3A_140 = vector.broadcast %add3A_139 : i32 to vector<16xi32>
        %add3A_141 = arith.addi %add3A_132, %add3A_140 : vector<16xi32>
        %mul3A_142 = arith.constant 16 : i32
        %mul3A_143 = arith.muli %scan3A_64, %mul3A_142 : i32
        %add3A_144 = arith.constant 2048 : i32
        %add3A_145 = arith.addi %add3A_144, %mul3A_143 : i32
        %swap3A_146 = arith.index_cast %add3A_145 : i32 to index
        %swap3A_147 = tpu.vector_load %arg13[%swap3A_146] {strides = array<i32>} : memref<8192xi32, #tpu.memory_space<vmem>>, vector<16xi32>,
        tpu.vector_store %arg13[%swap3A_146], %add3A_141 {strides = array<i32>} : memref<8192xi32, #tpu.memory_space<vmem>>, vector<16xi32>,
        %add3A_148 = arith.constant 65536 : i32
        %add3A_149 = vector.broadcast %add3A_148 : i32 to vector<16xi32>
        %add3A_150 = arith.addi %add3A_132, %add3A_149 : vector<16xi32>
        %mul3A_151 = arith.constant 16 : i32
        %mul3A_152 = arith.muli %scan3A_64, %mul3A_151 : i32
        %add3A_153 = arith.constant 4096 : i32
        %add3A_154 = arith.addi %add3A_153, %mul3A_152 : i32
        %swap3A_155 = arith.index_cast %add3A_154 : i32 to index
        %swap3A_156 = tpu.vector_load %arg13[%swap3A_155] {strides = array<i32>} : memref<8192xi32, #tpu.memory_space<vmem>>, vector<16xi32>,
        tpu.vector_store %arg13[%swap3A_155], %add3A_150 {strides = array<i32>} : memref<8192xi32, #tpu.memory_space<vmem>>, vector<16xi32>,
        %add3A_157 = arith.constant 65536 : i32
        %add3A_158 = vector.broadcast %add3A_157 : i32 to vector<16xi32>
        %add3A_159 = arith.addi %add3A_132, %add3A_158 : vector<16xi32>
        %add3A_160 = arith.constant 128 : i32
        %add3A_161 = vector.broadcast %add3A_160 : i32 to vector<16xi32>
        %add3A_162 = arith.addi %add3A_159, %add3A_161 : vector<16xi32>
        %mul3A_163 = arith.constant 16 : i32
        %mul3A_164 = arith.muli %scan3A_64, %mul3A_163 : i32
        %add3A_165 = arith.constant 6144 : i32
        %add3A_166 = arith.addi %add3A_165, %mul3A_164 : i32
        %swap3A_167 = arith.index_cast %add3A_166 : i32 to index
        %swap3A_168 = tpu.vector_load %arg13[%swap3A_167] {strides = array<i32>} : memref<8192xi32, #tpu.memory_space<vmem>>, vector<16xi32>,
        tpu.vector_store %arg13[%swap3A_167], %add3A_162 {strides = array<i32>} : memref<8192xi32, #tpu.memory_space<vmem>>, vector<16xi32>,
        %scan3A_169 = arith.constant 0 : i32
        scf.yield %scan3A_169 : i32
      }
      %scan3A_26 = arith.constant 128 : i32
      %dma_start3A = arith.constant 0 : i32
      %dma_start3A_27 = tpu.memref_slice %arg5[%dma_start3A] : memref<16777216xi32, #tpu.memory_space<hbm>> -> memref<16777216xi32, #tpu.memory_space<hbm>>
      tpu.enqueue_indirect_dma source(%dma_start3A_27 : memref<16777216xi32, #tpu.memory_space<hbm>>) target(%arg14 : memref<8192xi32, #tpu.memory_space<vmem>>) offsets(%arg13 : memref<8192xi32, #tpu.memory_space<vmem>>) semaphore(%arg25 : memref<!tpu.dma_semaphore, #tpu.memory_space<semaphore_mem>>)
      %mul3A_28 = arith.constant 2048 : i32
      %mul3A_29 = arith.muli %add3A_16, %mul3A_28 : i32
      %add3A_30 = arith.addi %mul3A_2, %mul3A_29 : i32
      "tpu.region"() ({
        %run_scoped3A = tpu.sem_alloc : memref<!tpu.dma_semaphore, #tpu.memory_space<semaphore_mem>>
        %dma_start3A_64 = tpu.memref_slice %arg2[%add3A_30] : memref<524288xf32, #tpu.memory_space<hbm>> -> memref<2048xf32, #tpu.memory_space<hbm>>
        %dma_start3A_65 = tpu.memref_slice %arg2[%add3A_30] : memref<524288xf32, #tpu.memory_space<hbm>> -> memref<2048xf32, #tpu.memory_space<hbm>>
        tpu.enqueue_dma source(%dma_start3A_65 : memref<2048xf32, #tpu.memory_space<hbm>>) target(%arg16 : memref<2048xf32, #tpu.memory_space<vmem>>) target_semaphore(%run_scoped3A : memref<!tpu.dma_semaphore, #tpu.memory_space<semaphore_mem>>)
        %dma_wait3A_66 = tpu.memref_slice %arg2[%add3A_30] : memref<524288xf32, #tpu.memory_space<hbm>> -> memref<2048xf32, #tpu.memory_space<hbm>>
        %dma_wait3A_67 = tpu.memref_slice %arg2[%add3A_30] : memref<524288xf32, #tpu.memory_space<hbm>> -> memref<2048xf32, #tpu.memory_space<hbm>>
        tpu.wait_dma2 semaphore(%run_scoped3A : memref<!tpu.dma_semaphore, #tpu.memory_space<semaphore_mem>>) src(%dma_wait3A_67 : memref<2048xf32, #tpu.memory_space<hbm>>) dst(%arg16 : memref<2048xf32, #tpu.memory_space<vmem>>)
        tpu.yield
      }) : () -> ()
      "tpu.region"() ({
        %run_scoped3A = tpu.sem_alloc : memref<!tpu.dma_semaphore, #tpu.memory_space<semaphore_mem>>
        %dma_start3A_64 = tpu.memref_slice %arg3[%add3A_30] : memref<524288xf32, #tpu.memory_space<hbm>> -> memref<2048xf32, #tpu.memory_space<hbm>>
        %dma_start3A_65 = tpu.memref_slice %arg3[%add3A_30] : memref<524288xf32, #tpu.memory_space<hbm>> -> memref<2048xf32, #tpu.memory_space<hbm>>
        tpu.enqueue_dma source(%dma_start3A_65 : memref<2048xf32, #tpu.memory_space<hbm>>) target(%arg17 : memref<2048xf32, #tpu.memory_space<vmem>>) target_semaphore(%run_scoped3A : memref<!tpu.dma_semaphore, #tpu.memory_space<semaphore_mem>>)
        %dma_wait3A_66 = tpu.memref_slice %arg3[%add3A_30] : memref<524288xf32, #tpu.memory_space<hbm>> -> memref<2048xf32, #tpu.memory_space<hbm>>
        %dma_wait3A_67 = tpu.memref_slice %arg3[%add3A_30] : memref<524288xf32, #tpu.memory_space<hbm>> -> memref<2048xf32, #tpu.memory_space<hbm>>
        tpu.wait_dma2 semaphore(%run_scoped3A : memref<!tpu.dma_semaphore, #tpu.memory_space<semaphore_mem>>) src(%dma_wait3A_67 : memref<2048xf32, #tpu.memory_space<hbm>>) dst(%arg17 : memref<2048xf32, #tpu.memory_space<vmem>>)
        tpu.yield
      }) : () -> ()
      "tpu.region"() ({
        %run_scoped3A = tpu.sem_alloc : memref<!tpu.dma_semaphore, #tpu.memory_space<semaphore_mem>>
        %dma_start3A_64 = tpu.memref_slice %arg4[%add3A_30] : memref<524288xf32, #tpu.memory_space<hbm>> -> memref<2048xf32, #tpu.memory_space<hbm>>
        %dma_start3A_65 = tpu.memref_slice %arg4[%add3A_30] : memref<524288xf32, #tpu.memory_space<hbm>> -> memref<2048xf32, #tpu.memory_space<hbm>>
        tpu.enqueue_dma source(%dma_start3A_65 : memref<2048xf32, #tpu.memory_space<hbm>>) target(%arg18 : memref<2048xf32, #tpu.memory_space<vmem>>) target_semaphore(%run_scoped3A : memref<!tpu.dma_semaphore, #tpu.memory_space<semaphore_mem>>)
        %dma_wait3A_66 = tpu.memref_slice %arg4[%add3A_30] : memref<524288xf32, #tpu.memory_space<hbm>> -> memref<2048xf32, #tpu.memory_space<hbm>>
        %dma_wait3A_67 = tpu.memref_slice %arg4[%add3A_30] : memref<524288xf32, #tpu.memory_space<hbm>> -> memref<2048xf32, #tpu.memory_space<hbm>>
        tpu.wait_dma2 semaphore(%run_scoped3A : memref<!tpu.dma_semaphore, #tpu.memory_space<semaphore_mem>>) src(%dma_wait3A_67 : memref<2048xf32, #tpu.memory_space<hbm>>) dst(%arg18 : memref<2048xf32, #tpu.memory_space<vmem>>)
        tpu.yield
      }) : () -> ()
      %scan3A_31 = arith.constant 0 : i32
      %scan3A_32 = arith.constant 0 : i32
      %scan3A_33 = arith.constant 128 : i32
      %scan3A_34 = arith.addi %scan3A_32, %scan3A_33 : i32
      %scan3A_35 = arith.constant 1 : i32
      %scan3A_36 = scf.for %scan3A_64 = %scan3A_32 to %scan3A_34 step %scan3A_35 iter_args(%scan3A_65 = %scan3A_31) -> (i32)  : i32 {
        %mul3A_66 = arith.constant 16 : i32
        %mul3A_67 = arith.muli %scan3A_64, %mul3A_66 : i32
        %get3A = arith.index_cast %mul3A_67 : i32 to index
        %get3A_68 = tpu.vector_load %arg16[%get3A] {strides = array<i32>} : memref<2048xf32, #tpu.memory_space<vmem>>, vector<16xf32>,
        %add3A_69 = arith.constant 1.000000e+00 : f32
        %add3A_70 = vector.broadcast %add3A_69 : f32 to vector<16xf32>
        %add3A_71 = arith.addf %get3A_68, %add3A_70 : vector<16xf32>
        %mul3A_72 = arith.constant 1.275000e+02 : f32
        %mul3A_73 = vector.broadcast %mul3A_72 : f32 to vector<16xf32>
        %mul3A_74 = arith.mulf %add3A_71, %mul3A_73 : vector<16xf32>
        %convert_element_type3A = arith.fptosi %mul3A_74 : vector<16xf32> to vector<16xi32>
        %jit3A = arith.constant 0 : i32
        %jit3A_75 = arith.constant 254 : i32
        %max3A = vector.broadcast %jit3A : i32 to vector<16xi32>
        %max3A_76 = arith.maxsi %max3A, %convert_element_type3A : vector<16xi32>
        %min3A = vector.broadcast %jit3A_75 : i32 to vector<16xi32>
        %min3A_77 = arith.minsi %min3A, %max3A_76 : vector<16xi32>
        %convert_element_type3A_78 = arith.sitofp %min3A_77 : vector<16xi32> to vector<16xf32>
        %sub3A = arith.subf %mul3A_74, %convert_element_type3A_78 : vector<16xf32>
        %get3A_79 = arith.index_cast %mul3A_67 : i32 to index
        %get3A_80 = tpu.vector_load %arg17[%get3A_79] {strides = array<i32>} : memref<2048xf32, #tpu.memory_space<vmem>>, vector<16xf32>,
        %add3A_81 = arith.constant 1.000000e+00 : f32
        %add3A_82 = vector.broadcast %add3A_81 : f32 to vector<16xf32>
        %add3A_83 = arith.addf %get3A_80, %add3A_82 : vector<16xf32>
        %mul3A_84 = arith.constant 1.275000e+02 : f32
        %mul3A_85 = vector.broadcast %mul3A_84 : f32 to vector<16xf32>
        %mul3A_86 = arith.mulf %add3A_83, %mul3A_85 : vector<16xf32>
        %convert_element_type3A_87 = arith.fptosi %mul3A_86 : vector<16xf32> to vector<16xi32>
        %jit3A_88 = arith.constant 0 : i32
        %jit3A_89 = arith.constant 254 : i32
        %max3A_90 = vector.broadcast %jit3A_88 : i32 to vector<16xi32>
        %max3A_91 = arith.maxsi %max3A_90, %convert_element_type3A_87 : vector<16xi32>
        %min3A_92 = vector.broadcast %jit3A_89 : i32 to vector<16xi32>
        %min3A_93 = arith.minsi %min3A_92, %max3A_91 : vector<16xi32>
        %convert_element_type3A_94 = arith.sitofp %min3A_93 : vector<16xi32> to vector<16xf32>
        %sub3A_95 = arith.subf %mul3A_86, %convert_element_type3A_94 : vector<16xf32>
        %get3A_96 = arith.index_cast %mul3A_67 : i32 to index
        %get3A_97 = tpu.vector_load %arg18[%get3A_96] {strides = array<i32>} : memref<2048xf32, #tpu.memory_space<vmem>>, vector<16xf32>,
        %add3A_98 = arith.constant 1.000000e+00 : f32
        %add3A_99 = vector.broadcast %add3A_98 : f32 to vector<16xf32>
        %add3A_100 = arith.addf %get3A_97, %add3A_99 : vector<16xf32>
        %mul3A_101 = arith.constant 1.275000e+02 : f32
        %mul3A_102 = vector.broadcast %mul3A_101 : f32 to vector<16xf32>
        %mul3A_103 = arith.mulf %add3A_100, %mul3A_102 : vector<16xf32>
        %convert_element_type3A_104 = arith.fptosi %mul3A_103 : vector<16xf32> to vector<16xi32>
        %jit3A_105 = arith.constant 0 : i32
        %jit3A_106 = arith.constant 254 : i32
        %max3A_107 = vector.broadcast %jit3A_105 : i32 to vector<16xi32>
        %max3A_108 = arith.maxsi %max3A_107, %convert_element_type3A_104 : vector<16xi32>
        %min3A_109 = vector.broadcast %jit3A_106 : i32 to vector<16xi32>
        %min3A_110 = arith.minsi %min3A_109, %max3A_108 : vector<16xi32>
        %convert_element_type3A_111 = arith.sitofp %min3A_110 : vector<16xi32> to vector<16xf32>
        %sub3A_112 = arith.subf %mul3A_103, %convert_element_type3A_111 : vector<16xf32>
        %swap3A = arith.index_cast %mul3A_67 : i32 to index
        %swap3A_113 = tpu.vector_load %arg19[%swap3A] {strides = array<i32>} : memref<2048xf32, #tpu.memory_space<vmem>>, vector<16xf32>,
        tpu.vector_store %arg19[%swap3A], %sub3A {strides = array<i32>} : memref<2048xf32, #tpu.memory_space<vmem>>, vector<16xf32>,
        %swap3A_114 = arith.index_cast %mul3A_67 : i32 to index
        %swap3A_115 = tpu.vector_load %arg20[%swap3A_114] {strides = array<i32>} : memref<2048xf32, #tpu.memory_space<vmem>>, vector<16xf32>,
        tpu.vector_store %arg20[%swap3A_114], %sub3A_95 {strides = array<i32>} : memref<2048xf32, #tpu.memory_space<vmem>>, vector<16xf32>,
        %swap3A_116 = arith.index_cast %mul3A_67 : i32 to index
        %swap3A_117 = tpu.vector_load %arg21[%swap3A_116] {strides = array<i32>} : memref<2048xf32, #tpu.memory_space<vmem>>, vector<16xf32>,
        tpu.vector_store %arg21[%swap3A_116], %sub3A_112 {strides = array<i32>} : memref<2048xf32, #tpu.memory_space<vmem>>, vector<16xf32>,
        %shift_left3A = arith.constant 16 : i32
        %shift_left3A_118 = vector.broadcast %shift_left3A : i32 to vector<16xi32>
        %shift_left3A_119 = arith.shli %min3A_110, %shift_left3A_118 : vector<16xi32>
        %shift_right_arithmetic3A = arith.constant 7 : i32
        %shift_right_arithmetic3A_120 = vector.broadcast %shift_right_arithmetic3A : i32 to vector<16xi32>
        %shift_right_arithmetic3A_121 = arith.shrsi %min3A_77, %shift_right_arithmetic3A_120 : vector<16xi32>
        %shift_left3A_122 = arith.constant 15 : i32
        %shift_left3A_123 = vector.broadcast %shift_left3A_122 : i32 to vector<16xi32>
        %shift_left3A_124 = arith.shli %shift_right_arithmetic3A_121, %shift_left3A_123 : vector<16xi32>
        %add3A_125 = arith.addi %shift_left3A_119, %shift_left3A_124 : vector<16xi32>
        %shift_left3A_126 = arith.constant 7 : i32
        %shift_left3A_127 = vector.broadcast %shift_left3A_126 : i32 to vector<16xi32>
        %shift_left3A_128 = arith.shli %min3A_93, %shift_left3A_127 : vector<16xi32>
        %add3A_129 = arith.addi %add3A_125, %shift_left3A_128 : vector<16xi32>
        %and3A = arith.constant 127 : i32
        %and3A_130 = vector.broadcast %and3A : i32 to vector<16xi32>
        %and3A_131 = arith.andi %min3A_77, %and3A_130 : vector<16xi32>
        %add3A_132 = arith.addi %add3A_129, %and3A_131 : vector<16xi32>
        %mul3A_133 = arith.constant 16 : i32
        %mul3A_134 = arith.muli %scan3A_64, %mul3A_133 : i32
        %add3A_135 = arith.constant 0 : i32
        %add3A_136 = arith.addi %add3A_135, %mul3A_134 : i32
        %swap3A_137 = arith.index_cast %add3A_136 : i32 to index
        %swap3A_138 = tpu.vector_load %arg22[%swap3A_137] {strides = array<i32>} : memref<8192xi32, #tpu.memory_space<vmem>>, vector<16xi32>,
        tpu.vector_store %arg22[%swap3A_137], %add3A_132 {strides = array<i32>} : memref<8192xi32, #tpu.memory_space<vmem>>, vector<16xi32>,
        %add3A_139 = arith.constant 128 : i32
        %add3A_140 = vector.broadcast %add3A_139 : i32 to vector<16xi32>
        %add3A_141 = arith.addi %add3A_132, %add3A_140 : vector<16xi32>
        %mul3A_142 = arith.constant 16 : i32
        %mul3A_143 = arith.muli %scan3A_64, %mul3A_142 : i32
        %add3A_144 = arith.constant 2048 : i32
        %add3A_145 = arith.addi %add3A_144, %mul3A_143 : i32
        %swap3A_146 = arith.index_cast %add3A_145 : i32 to index
        %swap3A_147 = tpu.vector_load %arg22[%swap3A_146] {strides = array<i32>} : memref<8192xi32, #tpu.memory_space<vmem>>, vector<16xi32>,
        tpu.vector_store %arg22[%swap3A_146], %add3A_141 {strides = array<i32>} : memref<8192xi32, #tpu.memory_space<vmem>>, vector<16xi32>,
        %add3A_148 = arith.constant 65536 : i32
        %add3A_149 = vector.broadcast %add3A_148 : i32 to vector<16xi32>
        %add3A_150 = arith.addi %add3A_132, %add3A_149 : vector<16xi32>
        %mul3A_151 = arith.constant 16 : i32
        %mul3A_152 = arith.muli %scan3A_64, %mul3A_151 : i32
        %add3A_153 = arith.constant 4096 : i32
        %add3A_154 = arith.addi %add3A_153, %mul3A_152 : i32
        %swap3A_155 = arith.index_cast %add3A_154 : i32 to index
        %swap3A_156 = tpu.vector_load %arg22[%swap3A_155] {strides = array<i32>} : memref<8192xi32, #tpu.memory_space<vmem>>, vector<16xi32>,
        tpu.vector_store %arg22[%swap3A_155], %add3A_150 {strides = array<i32>} : memref<8192xi32, #tpu.memory_space<vmem>>, vector<16xi32>,
        %add3A_157 = arith.constant 65536 : i32
        %add3A_158 = vector.broadcast %add3A_157 : i32 to vector<16xi32>
        %add3A_159 = arith.addi %add3A_132, %add3A_158 : vector<16xi32>
        %add3A_160 = arith.constant 128 : i32
        %add3A_161 = vector.broadcast %add3A_160 : i32 to vector<16xi32>
        %add3A_162 = arith.addi %add3A_159, %add3A_161 : vector<16xi32>
        %mul3A_163 = arith.constant 16 : i32
        %mul3A_164 = arith.muli %scan3A_64, %mul3A_163 : i32
        %add3A_165 = arith.constant 6144 : i32
        %add3A_166 = arith.addi %add3A_165, %mul3A_164 : i32
        %swap3A_167 = arith.index_cast %add3A_166 : i32 to index
        %swap3A_168 = tpu.vector_load %arg22[%swap3A_167] {strides = array<i32>} : memref<8192xi32, #tpu.memory_space<vmem>>, vector<16xi32>,
        tpu.vector_store %arg22[%swap3A_167], %add3A_162 {strides = array<i32>} : memref<8192xi32, #tpu.memory_space<vmem>>, vector<16xi32>,
        %scan3A_169 = arith.constant 0 : i32
        scf.yield %scan3A_169 : i32
      }
      %scan3A_37 = arith.constant 128 : i32
      %dma_start3A_38 = arith.constant 0 : i32
      %dma_start3A_39 = tpu.memref_slice %arg5[%dma_start3A_38] : memref<16777216xi32, #tpu.memory_space<hbm>> -> memref<16777216xi32, #tpu.memory_space<hbm>>
      tpu.enqueue_indirect_dma source(%dma_start3A_39 : memref<16777216xi32, #tpu.memory_space<hbm>>) target(%arg23 : memref<8192xi32, #tpu.memory_space<vmem>>) offsets(%arg22 : memref<8192xi32, #tpu.memory_space<vmem>>) semaphore(%arg26 : memref<!tpu.dma_semaphore, #tpu.memory_space<semaphore_mem>>)
      %mul3A_40 = arith.constant 2048 : i32
      %mul3A_41 = arith.muli %mul3A_12, %mul3A_40 : i32
      %add3A_42 = arith.addi %mul3A_2, %mul3A_41 : i32
      %dma_wait3A = arith.constant 0 : i32
      %dma_wait3A_43 = tpu.memref_slice %arg5[%dma_wait3A] : memref<16777216xi32, #tpu.memory_space<hbm>> -> memref<16777216xi32, #tpu.memory_space<hbm>>
      tpu.wait_indirect_dma semaphore(%arg25 : memref<!tpu.dma_semaphore, #tpu.memory_space<semaphore_mem>>) src(%dma_wait3A_43 : memref<16777216xi32, #tpu.memory_space<hbm>>) dst(%arg14 : memref<8192xi32, #tpu.memory_space<vmem>>)
      %scan3A_44 = arith.constant 0 : i32
      %scan3A_45 = arith.constant 0 : i32
      %scan3A_46 = arith.constant 128 : i32
      %scan3A_47 = arith.addi %scan3A_45, %scan3A_46 : i32
      %scan3A_48 = arith.constant 1 : i32
      %scan3A_49 = scf.for %scan3A_64 = %scan3A_45 to %scan3A_47 step %scan3A_48 iter_args(%scan3A_65 = %scan3A_44) -> (i32)  : i32 {
        %mul3A_66 = arith.constant 16 : i32
        %mul3A_67 = arith.muli %scan3A_64, %mul3A_66 : i32
        %mul3A_68 = arith.constant 16 : i32
        %mul3A_69 = arith.muli %scan3A_64, %mul3A_68 : i32
        %add3A_70 = arith.constant 0 : i32
        %add3A_71 = arith.addi %add3A_70, %mul3A_69 : i32
        %get3A = arith.index_cast %add3A_71 : i32 to index
        %get3A_72 = tpu.vector_load %arg14[%get3A] {strides = array<i32>} : memref<8192xi32, #tpu.memory_space<vmem>>, vector<16xi32>,
        %mul3A_73 = arith.constant 16 : i32
        %mul3A_74 = arith.muli %scan3A_64, %mul3A_73 : i32
        %add3A_75 = arith.constant 2048 : i32
        %add3A_76 = arith.addi %add3A_75, %mul3A_74 : i32
        %get3A_77 = arith.index_cast %add3A_76 : i32 to index
        %get3A_78 = tpu.vector_load %arg14[%get3A_77] {strides = array<i32>} : memref<8192xi32, #tpu.memory_space<vmem>>, vector<16xi32>,
        %mul3A_79 = arith.constant 16 : i32
        %mul3A_80 = arith.muli %scan3A_64, %mul3A_79 : i32
        %add3A_81 = arith.constant 4096 : i32
        %add3A_82 = arith.addi %add3A_81, %mul3A_80 : i32
        %get3A_83 = arith.index_cast %add3A_82 : i32 to index
        %get3A_84 = tpu.vector_load %arg14[%get3A_83] {strides = array<i32>} : memref<8192xi32, #tpu.memory_space<vmem>>, vector<16xi32>,
        %mul3A_85 = arith.constant 16 : i32
        %mul3A_86 = arith.muli %scan3A_64, %mul3A_85 : i32
        %add3A_87 = arith.constant 6144 : i32
        %add3A_88 = arith.addi %add3A_87, %mul3A_86 : i32
        %get3A_89 = arith.index_cast %add3A_88 : i32 to index
        %get3A_90 = tpu.vector_load %arg14[%get3A_89] {strides = array<i32>} : memref<8192xi32, #tpu.memory_space<vmem>>, vector<16xi32>,
        %get3A_91 = arith.index_cast %mul3A_67 : i32 to index
        %get3A_92 = tpu.vector_load %arg10[%get3A_91] {strides = array<i32>} : memref<2048xf32, #tpu.memory_space<vmem>>, vector<16xf32>,
        %get3A_93 = arith.index_cast %mul3A_67 : i32 to index
        %get3A_94 = tpu.vector_load %arg11[%get3A_93] {strides = array<i32>} : memref<2048xf32, #tpu.memory_space<vmem>>, vector<16xf32>,
        %get3A_95 = arith.index_cast %mul3A_67 : i32 to index
        %get3A_96 = tpu.vector_load %arg12[%get3A_95] {strides = array<i32>} : memref<2048xf32, #tpu.memory_space<vmem>>, vector<16xf32>,
        %shift_left3A = arith.constant 16 : i32
        %shift_left3A_97 = vector.broadcast %shift_left3A : i32 to vector<16xi32>
        %shift_left3A_98 = arith.shli %get3A_72, %shift_left3A_97 : vector<16xi32>
        %bitcast3A = vector.bitcast %shift_left3A_98 : vector<16xi32> to vector<16xf32>
        %and3A = arith.constant -65536 : i32
        %and3A_99 = vector.broadcast %and3A : i32 to vector<16xi32>
        %and3A_100 = arith.andi %get3A_72, %and3A_99 : vector<16xi32>
        %bitcast3A_101 = vector.bitcast %and3A_100 : vector<16xi32> to vector<16xf32>
        %sub3A = arith.subf %bitcast3A_101, %bitcast3A : vector<16xf32>
        %mul3A_102 = arith.mulf %get3A_92, %sub3A : vector<16xf32>
        %add3A_103 = arith.addf %bitcast3A, %mul3A_102 : vector<16xf32>
        %shift_left3A_104 = arith.constant 16 : i32
        %shift_left3A_105 = vector.broadcast %shift_left3A_104 : i32 to vector<16xi32>
        %shift_left3A_106 = arith.shli %get3A_78, %shift_left3A_105 : vector<16xi32>
        %bitcast3A_107 = vector.bitcast %shift_left3A_106 : vector<16xi32> to vector<16xf32>
        %and3A_108 = arith.constant -65536 : i32
        %and3A_109 = vector.broadcast %and3A_108 : i32 to vector<16xi32>
        %and3A_110 = arith.andi %get3A_78, %and3A_109 : vector<16xi32>
        %bitcast3A_111 = vector.bitcast %and3A_110 : vector<16xi32> to vector<16xf32>
        %sub3A_112 = arith.subf %bitcast3A_111, %bitcast3A_107 : vector<16xf32>
        %mul3A_113 = arith.mulf %get3A_92, %sub3A_112 : vector<16xf32>
        %add3A_114 = arith.addf %bitcast3A_107, %mul3A_113 : vector<16xf32>
        %shift_left3A_115 = arith.constant 16 : i32
        %shift_left3A_116 = vector.broadcast %shift_left3A_115 : i32 to vector<16xi32>
        %shift_left3A_117 = arith.shli %get3A_84, %shift_left3A_116 : vector<16xi32>
        %bitcast3A_118 = vector.bitcast %shift_left3A_117 : vector<16xi32> to vector<16xf32>
        %and3A_119 = arith.constant -65536 : i32
        %and3A_120 = vector.broadcast %and3A_119 : i32 to vector<16xi32>
        %and3A_121 = arith.andi %get3A_84, %and3A_120 : vector<16xi32>
        %bitcast3A_122 = vector.bitcast %and3A_121 : vector<16xi32> to vector<16xf32>
        %sub3A_123 = arith.subf %bitcast3A_122, %bitcast3A_118 : vector<16xf32>
        %mul3A_124 = arith.mulf %get3A_92, %sub3A_123 : vector<16xf32>
        %add3A_125 = arith.addf %bitcast3A_118, %mul3A_124 : vector<16xf32>
        %shift_left3A_126 = arith.constant 16 : i32
        %shift_left3A_127 = vector.broadcast %shift_left3A_126 : i32 to vector<16xi32>
        %shift_left3A_128 = arith.shli %get3A_90, %shift_left3A_127 : vector<16xi32>
        %bitcast3A_129 = vector.bitcast %shift_left3A_128 : vector<16xi32> to vector<16xf32>
        %and3A_130 = arith.constant -65536 : i32
        %and3A_131 = vector.broadcast %and3A_130 : i32 to vector<16xi32>
        %and3A_132 = arith.andi %get3A_90, %and3A_131 : vector<16xi32>
        %bitcast3A_133 = vector.bitcast %and3A_132 : vector<16xi32> to vector<16xf32>
        %sub3A_134 = arith.subf %bitcast3A_133, %bitcast3A_129 : vector<16xf32>
        %mul3A_135 = arith.mulf %get3A_92, %sub3A_134 : vector<16xf32>
        %add3A_136 = arith.addf %bitcast3A_129, %mul3A_135 : vector<16xf32>
        %sub3A_137 = arith.subf %add3A_114, %add3A_103 : vector<16xf32>
        %mul3A_138 = arith.mulf %get3A_94, %sub3A_137 : vector<16xf32>
        %add3A_139 = arith.addf %add3A_103, %mul3A_138 : vector<16xf32>
        %sub3A_140 = arith.subf %add3A_136, %add3A_125 : vector<16xf32>
        %mul3A_141 = arith.mulf %get3A_94, %sub3A_140 : vector<16xf32>
        %add3A_142 = arith.addf %add3A_125, %mul3A_141 : vector<16xf32>
        %sub3A_143 = arith.subf %add3A_142, %add3A_139 : vector<16xf32>
        %mul3A_144 = arith.mulf %get3A_96, %sub3A_143 : vector<16xf32>
        %add3A_145 = arith.addf %add3A_139, %mul3A_144 : vector<16xf32>
        %swap3A = arith.index_cast %mul3A_67 : i32 to index
        %swap3A_146 = tpu.vector_load %arg15[%swap3A] {strides = array<i32>} : memref<2048xf32, #tpu.memory_space<vmem>>, vector<16xf32>,
        tpu.vector_store %arg15[%swap3A], %add3A_145 {strides = array<i32>} : memref<2048xf32, #tpu.memory_space<vmem>>, vector<16xf32>,
        %scan3A_147 = arith.constant 0 : i32
        scf.yield %scan3A_147 : i32
      }
      %scan3A_50 = arith.constant 128 : i32
      "tpu.region"() ({
        %run_scoped3A = tpu.sem_alloc : memref<!tpu.dma_semaphore, #tpu.memory_space<semaphore_mem>>
        %dma_start3A_64 = tpu.memref_slice %arg6[%add3A_42] : memref<524288xf32, #tpu.memory_space<hbm>> -> memref<2048xf32, #tpu.memory_space<hbm>>
        %dma_start3A_65 = tpu.memref_slice %arg6[%add3A_42] : memref<524288xf32, #tpu.memory_space<hbm>> -> memref<2048xf32, #tpu.memory_space<hbm>>
        tpu.enqueue_dma source(%arg15 : memref<2048xf32, #tpu.memory_space<vmem>>) target(%dma_start3A_65 : memref<2048xf32, #tpu.memory_space<hbm>>) target_semaphore(%run_scoped3A : memref<!tpu.dma_semaphore, #tpu.memory_space<semaphore_mem>>)
        %dma_wait3A_66 = tpu.memref_slice %arg6[%add3A_42] : memref<524288xf32, #tpu.memory_space<hbm>> -> memref<2048xf32, #tpu.memory_space<hbm>>
        %dma_wait3A_67 = tpu.memref_slice %arg6[%add3A_42] : memref<524288xf32, #tpu.memory_space<hbm>> -> memref<2048xf32, #tpu.memory_space<hbm>>
        tpu.wait_dma2 semaphore(%run_scoped3A : memref<!tpu.dma_semaphore, #tpu.memory_space<semaphore_mem>>) src(%arg15 : memref<2048xf32, #tpu.memory_space<vmem>>) dst(%dma_wait3A_67 : memref<2048xf32, #tpu.memory_space<hbm>>)
        tpu.yield
      }) : () -> ()
      %mul3A_51 = arith.constant 2048 : i32
      %mul3A_52 = arith.muli %add3A_16, %mul3A_51 : i32
      %add3A_53 = arith.addi %mul3A_2, %mul3A_52 : i32
      %dma_wait3A_54 = arith.constant 0 : i32
      %dma_wait3A_55 = tpu.memref_slice %arg5[%dma_wait3A_54] : memref<16777216xi32, #tpu.memory_space<hbm>> -> memref<16777216xi32, #tpu.memory_space<hbm>>
      tpu.wait_indirect_dma semaphore(%arg26 : memref<!tpu.dma_semaphore, #tpu.memory_space<semaphore_mem>>) src(%dma_wait3A_55 : memref<16777216xi32, #tpu.memory_space<hbm>>) dst(%arg23 : memref<8192xi32, #tpu.memory_space<vmem>>)
      %scan3A_56 = arith.constant 0 : i32
      %scan3A_57 = arith.constant 0 : i32
      %scan3A_58 = arith.constant 128 : i32
      %scan3A_59 = arith.addi %scan3A_57, %scan3A_58 : i32
      %scan3A_60 = arith.constant 1 : i32
      %scan3A_61 = scf.for %scan3A_64 = %scan3A_57 to %scan3A_59 step %scan3A_60 iter_args(%scan3A_65 = %scan3A_56) -> (i32)  : i32 {
        %mul3A_66 = arith.constant 16 : i32
        %mul3A_67 = arith.muli %scan3A_64, %mul3A_66 : i32
        %mul3A_68 = arith.constant 16 : i32
        %mul3A_69 = arith.muli %scan3A_64, %mul3A_68 : i32
        %add3A_70 = arith.constant 0 : i32
        %add3A_71 = arith.addi %add3A_70, %mul3A_69 : i32
        %get3A = arith.index_cast %add3A_71 : i32 to index
        %get3A_72 = tpu.vector_load %arg23[%get3A] {strides = array<i32>} : memref<8192xi32, #tpu.memory_space<vmem>>, vector<16xi32>,
        %mul3A_73 = arith.constant 16 : i32
        %mul3A_74 = arith.muli %scan3A_64, %mul3A_73 : i32
        %add3A_75 = arith.constant 2048 : i32
        %add3A_76 = arith.addi %add3A_75, %mul3A_74 : i32
        %get3A_77 = arith.index_cast %add3A_76 : i32 to index
        %get3A_78 = tpu.vector_load %arg23[%get3A_77] {strides = array<i32>} : memref<8192xi32, #tpu.memory_space<vmem>>, vector<16xi32>,
        %mul3A_79 = arith.constant 16 : i32
        %mul3A_80 = arith.muli %scan3A_64, %mul3A_79 : i32
        %add3A_81 = arith.constant 4096 : i32
        %add3A_82 = arith.addi %add3A_81, %mul3A_80 : i32
        %get3A_83 = arith.index_cast %add3A_82 : i32 to index
        %get3A_84 = tpu.vector_load %arg23[%get3A_83] {strides = array<i32>} : memref<8192xi32, #tpu.memory_space<vmem>>, vector<16xi32>,
        %mul3A_85 = arith.constant 16 : i32
        %mul3A_86 = arith.muli %scan3A_64, %mul3A_85 : i32
        %add3A_87 = arith.constant 6144 : i32
        %add3A_88 = arith.addi %add3A_87, %mul3A_86 : i32
        %get3A_89 = arith.index_cast %add3A_88 : i32 to index
        %get3A_90 = tpu.vector_load %arg23[%get3A_89] {strides = array<i32>} : memref<8192xi32, #tpu.memory_space<vmem>>, vector<16xi32>,
        %get3A_91 = arith.index_cast %mul3A_67 : i32 to index
        %get3A_92 = tpu.vector_load %arg19[%get3A_91] {strides = array<i32>} : memref<2048xf32, #tpu.memory_space<vmem>>, vector<16xf32>,
        %get3A_93 = arith.index_cast %mul3A_67 : i32 to index
        %get3A_94 = tpu.vector_load %arg20[%get3A_93] {strides = array<i32>} : memref<2048xf32, #tpu.memory_space<vmem>>, vector<16xf32>,
        %get3A_95 = arith.index_cast %mul3A_67 : i32 to index
        %get3A_96 = tpu.vector_load %arg21[%get3A_95] {strides = array<i32>} : memref<2048xf32, #tpu.memory_space<vmem>>, vector<16xf32>,
        %shift_left3A = arith.constant 16 : i32
        %shift_left3A_97 = vector.broadcast %shift_left3A : i32 to vector<16xi32>
        %shift_left3A_98 = arith.shli %get3A_72, %shift_left3A_97 : vector<16xi32>
        %bitcast3A = vector.bitcast %shift_left3A_98 : vector<16xi32> to vector<16xf32>
        %and3A = arith.constant -65536 : i32
        %and3A_99 = vector.broadcast %and3A : i32 to vector<16xi32>
        %and3A_100 = arith.andi %get3A_72, %and3A_99 : vector<16xi32>
        %bitcast3A_101 = vector.bitcast %and3A_100 : vector<16xi32> to vector<16xf32>
        %sub3A = arith.subf %bitcast3A_101, %bitcast3A : vector<16xf32>
        %mul3A_102 = arith.mulf %get3A_92, %sub3A : vector<16xf32>
        %add3A_103 = arith.addf %bitcast3A, %mul3A_102 : vector<16xf32>
        %shift_left3A_104 = arith.constant 16 : i32
        %shift_left3A_105 = vector.broadcast %shift_left3A_104 : i32 to vector<16xi32>
        %shift_left3A_106 = arith.shli %get3A_78, %shift_left3A_105 : vector<16xi32>
        %bitcast3A_107 = vector.bitcast %shift_left3A_106 : vector<16xi32> to vector<16xf32>
        %and3A_108 = arith.constant -65536 : i32
        %and3A_109 = vector.broadcast %and3A_108 : i32 to vector<16xi32>
        %and3A_110 = arith.andi %get3A_78, %and3A_109 : vector<16xi32>
        %bitcast3A_111 = vector.bitcast %and3A_110 : vector<16xi32> to vector<16xf32>
        %sub3A_112 = arith.subf %bitcast3A_111, %bitcast3A_107 : vector<16xf32>
        %mul3A_113 = arith.mulf %get3A_92, %sub3A_112 : vector<16xf32>
        %add3A_114 = arith.addf %bitcast3A_107, %mul3A_113 : vector<16xf32>
        %shift_left3A_115 = arith.constant 16 : i32
        %shift_left3A_116 = vector.broadcast %shift_left3A_115 : i32 to vector<16xi32>
        %shift_left3A_117 = arith.shli %get3A_84, %shift_left3A_116 : vector<16xi32>
        %bitcast3A_118 = vector.bitcast %shift_left3A_117 : vector<16xi32> to vector<16xf32>
        %and3A_119 = arith.constant -65536 : i32
        %and3A_120 = vector.broadcast %and3A_119 : i32 to vector<16xi32>
        %and3A_121 = arith.andi %get3A_84, %and3A_120 : vector<16xi32>
        %bitcast3A_122 = vector.bitcast %and3A_121 : vector<16xi32> to vector<16xf32>
        %sub3A_123 = arith.subf %bitcast3A_122, %bitcast3A_118 : vector<16xf32>
        %mul3A_124 = arith.mulf %get3A_92, %sub3A_123 : vector<16xf32>
        %add3A_125 = arith.addf %bitcast3A_118, %mul3A_124 : vector<16xf32>
        %shift_left3A_126 = arith.constant 16 : i32
        %shift_left3A_127 = vector.broadcast %shift_left3A_126 : i32 to vector<16xi32>
        %shift_left3A_128 = arith.shli %get3A_90, %shift_left3A_127 : vector<16xi32>
        %bitcast3A_129 = vector.bitcast %shift_left3A_128 : vector<16xi32> to vector<16xf32>
        %and3A_130 = arith.constant -65536 : i32
        %and3A_131 = vector.broadcast %and3A_130 : i32 to vector<16xi32>
        %and3A_132 = arith.andi %get3A_90, %and3A_131 : vector<16xi32>
        %bitcast3A_133 = vector.bitcast %and3A_132 : vector<16xi32> to vector<16xf32>
        %sub3A_134 = arith.subf %bitcast3A_133, %bitcast3A_129 : vector<16xf32>
        %mul3A_135 = arith.mulf %get3A_92, %sub3A_134 : vector<16xf32>
        %add3A_136 = arith.addf %bitcast3A_129, %mul3A_135 : vector<16xf32>
        %sub3A_137 = arith.subf %add3A_114, %add3A_103 : vector<16xf32>
        %mul3A_138 = arith.mulf %get3A_94, %sub3A_137 : vector<16xf32>
        %add3A_139 = arith.addf %add3A_103, %mul3A_138 : vector<16xf32>
        %sub3A_140 = arith.subf %add3A_136, %add3A_125 : vector<16xf32>
        %mul3A_141 = arith.mulf %get3A_94, %sub3A_140 : vector<16xf32>
        %add3A_142 = arith.addf %add3A_125, %mul3A_141 : vector<16xf32>
        %sub3A_143 = arith.subf %add3A_142, %add3A_139 : vector<16xf32>
        %mul3A_144 = arith.mulf %get3A_96, %sub3A_143 : vector<16xf32>
        %add3A_145 = arith.addf %add3A_139, %mul3A_144 : vector<16xf32>
        %swap3A = arith.index_cast %mul3A_67 : i32 to index
        %swap3A_146 = tpu.vector_load %arg24[%swap3A] {strides = array<i32>} : memref<2048xf32, #tpu.memory_space<vmem>>, vector<16xf32>,
        tpu.vector_store %arg24[%swap3A], %add3A_145 {strides = array<i32>} : memref<2048xf32, #tpu.memory_space<vmem>>, vector<16xf32>,
        %scan3A_147 = arith.constant 0 : i32
        scf.yield %scan3A_147 : i32
      }
      %scan3A_62 = arith.constant 128 : i32
      "tpu.region"() ({
        %run_scoped3A = tpu.sem_alloc : memref<!tpu.dma_semaphore, #tpu.memory_space<semaphore_mem>>
        %dma_start3A_64 = tpu.memref_slice %arg6[%add3A_53] : memref<524288xf32, #tpu.memory_space<hbm>> -> memref<2048xf32, #tpu.memory_space<hbm>>
        %dma_start3A_65 = tpu.memref_slice %arg6[%add3A_53] : memref<524288xf32, #tpu.memory_space<hbm>> -> memref<2048xf32, #tpu.memory_space<hbm>>
        tpu.enqueue_dma source(%arg24 : memref<2048xf32, #tpu.memory_space<vmem>>) target(%dma_start3A_65 : memref<2048xf32, #tpu.memory_space<hbm>>) target_semaphore(%run_scoped3A : memref<!tpu.dma_semaphore, #tpu.memory_space<semaphore_mem>>)
        %dma_wait3A_66 = tpu.memref_slice %arg6[%add3A_53] : memref<524288xf32, #tpu.memory_space<hbm>> -> memref<2048xf32, #tpu.memory_space<hbm>>
        %dma_wait3A_67 = tpu.memref_slice %arg6[%add3A_53] : memref<524288xf32, #tpu.memory_space<hbm>> -> memref<2048xf32, #tpu.memory_space<hbm>>
        tpu.wait_dma2 semaphore(%run_scoped3A : memref<!tpu.dma_semaphore, #tpu.memory_space<semaphore_mem>>) src(%arg24 : memref<2048xf32, #tpu.memory_space<vmem>>) dst(%dma_wait3A_67 : memref<2048xf32, #tpu.memory_space<hbm>>)
        tpu.yield
      }) : () -> ()
      %scan3A_63 = arith.constant 0 : i32
      scf.yield %scan3A_63 : i32
    }
    %scan3A_8 = arith.constant 4 : i32
    return
  }
}

module attributes {stable_mosaic.version = 14 : i64} {
  func.func @_build_volume_body(%arg0: i32, %arg1: memref<96x256xf32, #tpu.memory_space<vmem>>, %arg2: memref<96x256xf32, #tpu.memory_space<vmem>>, %arg3: memref<96x256xf32, #tpu.memory_space<vmem>>, %arg4: memref<96x256xf32, #tpu.memory_space<vmem>>, %arg5: memref<8192x128xi32, #tpu.memory_space<vmem>>) attributes {dimension_semantics = [#tpu.dimension_semantics<arbitrary>], iteration_bounds = array<i64: 16>, scalar_prefetch = 0 : i64, scratch_operands = 0 : i64, tpu.core_type = #tpu.core_type<tc>, window_params = [{pipeline_mode = #tpu.pipeline_mode<synchronous>, transform_indices = @transform_0, window_bounds = array<i64: 96, 256>}, {pipeline_mode = #tpu.pipeline_mode<synchronous>, transform_indices = @transform_1, window_bounds = array<i64: 96, 256>}, {pipeline_mode = #tpu.pipeline_mode<synchronous>, transform_indices = @transform_2, window_bounds = array<i64: 96, 256>}, {pipeline_mode = #tpu.pipeline_mode<synchronous>, transform_indices = @transform_3, window_bounds = array<i64: 96, 256>}, {transform_indices = @transform_4, window_bounds = array<i64: 8192, 128>}]} {
    %get3A = arith.constant 0 : index
    %get3A_0 = arith.constant 0 : index
    %get3A_1 = vector.load %arg1[%get3A, %get3A_0] : memref<96x256xf32, #tpu.memory_space<vmem>>, vector<96x256xf32>
    %get3A_2 = arith.constant 0 : index
    %get3A_3 = arith.constant 0 : index
    %get3A_4 = vector.load %arg2[%get3A_2, %get3A_3] : memref<96x256xf32, #tpu.memory_space<vmem>>, vector<96x256xf32>
    %get3A_5 = arith.constant 0 : index
    %get3A_6 = arith.constant 0 : index
    %get3A_7 = vector.load %arg3[%get3A_5, %get3A_6] : memref<96x256xf32, #tpu.memory_space<vmem>>, vector<96x256xf32>
    %iota3A = tpu.iota {dimensions = array<i32: 1>} : vector<1x256xi32>
    %mul3A = arith.constant 16 : i32
    %mul3A_8 = arith.muli %arg0, %mul3A : i32
    %add3A = arith.constant 0 : i32
    %add3A_9 = arith.addi %mul3A_8, %add3A : i32
    %eq3A = vector.broadcast %add3A_9 : i32 to vector<1x256xi32>
    %eq3A_10 = arith.cmpi eq, %iota3A, %eq3A : vector<1x256xi32>
    %convert_element_type3A = arith.extui %eq3A_10 : vector<1x256xi1> to vector<1x256xi32>
    %convert_element_type3A_11 = arith.sitofp %convert_element_type3A : vector<1x256xi32> to vector<1x256xf32>
    %mul3A_12 = vector.broadcast %convert_element_type3A_11 : vector<1x256xf32> to vector<96x256xf32>
    %mul3A_13 = arith.mulf %get3A_1, %mul3A_12 : vector<96x256xf32>
    %reduce_sum3A = arith.constant dense<0.000000e+00> : vector<96xf32>
    %reduce_sum3A_14 = vector.multi_reduction <add>, %mul3A_13, %reduce_sum3A [1] : vector<96x256xf32> to vector<96xf32>
    %broadcast_in_dim3A = vector.shape_cast %reduce_sum3A_14 : vector<96xf32> to vector<96x1xf32>
    %mul3A_15 = vector.broadcast %broadcast_in_dim3A : vector<96x1xf32> to vector<96x256xf32>
    %mul3A_16 = arith.mulf %mul3A_15, %get3A_4 : vector<96x256xf32>
    %dot_general3A = arith.constant dense<0.000000e+00> : vector<256x256xf32>
    %dot_general3A_17 = tpu.matmul %mul3A_16, %get3A_7, %dot_general3A {dimension_numbers = #tpu.dot_dimension_numbers<[0], [0], [1], [1], [0, 1, 1, 1], [], []>, transpose_lhs_hint = false} : vector<96x256xf32>, vector<96x256xf32>, vector<256x256xf32> -> vector<256x256xf32>
    %roll3A = arith.constant 255 : i32
    %roll3A_18 = tpu.dynamic_rotate %dot_general3A_17 by %roll3A dim 1 : vector<256x256xf32>, i32 -> vector<256x256xf32>
    %bitcast_convert_type3A = tpu.bitcast %dot_general3A_17 : vector<256x256xf32> -> vector<256x256xi32>
    %bitcast_convert_type3A_19 = tpu.bitcast %roll3A_18 : vector<256x256xf32> -> vector<256x256xi32>
    %add3A_20 = arith.constant 32768 : i32
    %add3A_21 = vector.broadcast %add3A_20 : i32 to vector<256x256xi32>
    %add3A_22 = arith.addi %bitcast_convert_type3A, %add3A_21 : vector<256x256xi32>
    %shift_right_logical3A = arith.constant 16 : i32
    %shift_right_logical3A_23 = vector.broadcast %shift_right_logical3A : i32 to vector<256x256xi32>
    %shift_right_logical3A_24 = arith.shrui %add3A_22, %shift_right_logical3A_23 : vector<256x256xi32>
    %add3A_25 = arith.constant 32768 : i32
    %add3A_26 = vector.broadcast %add3A_25 : i32 to vector<256x256xi32>
    %add3A_27 = arith.addi %bitcast_convert_type3A_19, %add3A_26 : vector<256x256xi32>
    %and3A = arith.constant -65536 : i32
    %and3A_28 = vector.broadcast %and3A : i32 to vector<256x256xi32>
    %and3A_29 = arith.andi %add3A_27, %and3A_28 : vector<256x256xi32>
    %or3A = arith.ori %shift_right_logical3A_24, %and3A_29 : vector<256x256xi32>
    %slice3A = vector.extract_strided_slice %or3A {offsets = [0, 0], sizes = [256, 128], strides = [1, 1]} : vector<256x256xi32> to vector<256x128xi32>
    %swap3A = arith.constant 0 : index
    %swap3A_30 = arith.constant 0 : index
    %swap3A_31 = vector.load %arg5[%swap3A, %swap3A_30] : memref<8192x128xi32, #tpu.memory_space<vmem>>, vector<256x128xi32>
    tpu.vector_store %arg5[%swap3A, %swap3A_30], %slice3A {strides = array<i32>} : memref<8192x128xi32, #tpu.memory_space<vmem>>, vector<256x128xi32>,
    %slice3A_32 = vector.extract_strided_slice %or3A {offsets = [0, 128], sizes = [256, 128], strides = [1, 1]} : vector<256x256xi32> to vector<256x128xi32>
    %swap3A_33 = arith.constant 256 : index
    %swap3A_34 = arith.constant 0 : index
    %swap3A_35 = vector.load %arg5[%swap3A_33, %swap3A_34] : memref<8192x128xi32, #tpu.memory_space<vmem>>, vector<256x128xi32>
    tpu.vector_store %arg5[%swap3A_33, %swap3A_34], %slice3A_32 {strides = array<i32>} : memref<8192x128xi32, #tpu.memory_space<vmem>>, vector<256x128xi32>,
    %mul3A_36 = arith.constant 16 : i32
    %mul3A_37 = arith.muli %arg0, %mul3A_36 : i32
    %add3A_38 = arith.constant 1 : i32
    %add3A_39 = arith.addi %mul3A_37, %add3A_38 : i32
    %eq3A_40 = vector.broadcast %add3A_39 : i32 to vector<1x256xi32>
    %eq3A_41 = arith.cmpi eq, %iota3A, %eq3A_40 : vector<1x256xi32>
    %convert_element_type3A_42 = arith.extui %eq3A_41 : vector<1x256xi1> to vector<1x256xi32>
    %convert_element_type3A_43 = arith.sitofp %convert_element_type3A_42 : vector<1x256xi32> to vector<1x256xf32>
    %mul3A_44 = vector.broadcast %convert_element_type3A_43 : vector<1x256xf32> to vector<96x256xf32>
    %mul3A_45 = arith.mulf %get3A_1, %mul3A_44 : vector<96x256xf32>
    %reduce_sum3A_46 = arith.constant dense<0.000000e+00> : vector<96xf32>
    %reduce_sum3A_47 = vector.multi_reduction <add>, %mul3A_45, %reduce_sum3A_46 [1] : vector<96x256xf32> to vector<96xf32>
    %broadcast_in_dim3A_48 = vector.shape_cast %reduce_sum3A_47 : vector<96xf32> to vector<96x1xf32>
    %mul3A_49 = vector.broadcast %broadcast_in_dim3A_48 : vector<96x1xf32> to vector<96x256xf32>
    %mul3A_50 = arith.mulf %mul3A_49, %get3A_4 : vector<96x256xf32>
    %dot_general3A_51 = arith.constant dense<0.000000e+00> : vector<256x256xf32>
    %dot_general3A_52 = tpu.matmul %mul3A_50, %get3A_7, %dot_general3A_51 {dimension_numbers = #tpu.dot_dimension_numbers<[0], [0], [1], [1], [0, 1, 1, 1], [], []>, transpose_lhs_hint = false} : vector<96x256xf32>, vector<96x256xf32>, vector<256x256xf32> -> vector<256x256xf32>
    %roll3A_53 = arith.constant 255 : i32
    %roll3A_54 = tpu.dynamic_rotate %dot_general3A_52 by %roll3A_53 dim 1 : vector<256x256xf32>, i32 -> vector<256x256xf32>
    %bitcast_convert_type3A_55 = tpu.bitcast %dot_general3A_52 : vector<256x256xf32> -> vector<256x256xi32>
    %bitcast_convert_type3A_56 = tpu.bitcast %roll3A_54 : vector<256x256xf32> -> vector<256x256xi32>
    %add3A_57 = arith.constant 32768 : i32
    %add3A_58 = vector.broadcast %add3A_57 : i32 to vector<256x256xi32>
    %add3A_59 = arith.addi %bitcast_convert_type3A_55, %add3A_58 : vector<256x256xi32>
    %shift_right_logical3A_60 = arith.constant 16 : i32
    %shift_right_logical3A_61 = vector.broadcast %shift_right_logical3A_60 : i32 to vector<256x256xi32>
    %shift_right_logical3A_62 = arith.shrui %add3A_59, %shift_right_logical3A_61 : vector<256x256xi32>
    %add3A_63 = arith.constant 32768 : i32
    %add3A_64 = vector.broadcast %add3A_63 : i32 to vector<256x256xi32>
    %add3A_65 = arith.addi %bitcast_convert_type3A_56, %add3A_64 : vector<256x256xi32>
    %and3A_66 = arith.constant -65536 : i32
    %and3A_67 = vector.broadcast %and3A_66 : i32 to vector<256x256xi32>
    %and3A_68 = arith.andi %add3A_65, %and3A_67 : vector<256x256xi32>
    %or3A_69 = arith.ori %shift_right_logical3A_62, %and3A_68 : vector<256x256xi32>
    %slice3A_70 = vector.extract_strided_slice %or3A_69 {offsets = [0, 0], sizes = [256, 128], strides = [1, 1]} : vector<256x256xi32> to vector<256x128xi32>
    %swap3A_71 = arith.constant 512 : index
    %swap3A_72 = arith.constant 0 : index
    %swap3A_73 = vector.load %arg5[%swap3A_71, %swap3A_72] : memref<8192x128xi32, #tpu.memory_space<vmem>>, vector<256x128xi32>
    tpu.vector_store %arg5[%swap3A_71, %swap3A_72], %slice3A_70 {strides = array<i32>} : memref<8192x128xi32, #tpu.memory_space<vmem>>, vector<256x128xi32>,
    %slice3A_74 = vector.extract_strided_slice %or3A_69 {offsets = [0, 128], sizes = [256, 128], strides = [1, 1]} : vector<256x256xi32> to vector<256x128xi32>
    %swap3A_75 = arith.constant 768 : index
    %swap3A_76 = arith.constant 0 : index
    %swap3A_77 = vector.load %arg5[%swap3A_75, %swap3A_76] : memref<8192x128xi32, #tpu.memory_space<vmem>>, vector<256x128xi32>
    tpu.vector_store %arg5[%swap3A_75, %swap3A_76], %slice3A_74 {strides = array<i32>} : memref<8192x128xi32, #tpu.memory_space<vmem>>, vector<256x128xi32>,
    %mul3A_78 = arith.constant 16 : i32
    %mul3A_79 = arith.muli %arg0, %mul3A_78 : i32
    %add3A_80 = arith.constant 2 : i32
    %add3A_81 = arith.addi %mul3A_79, %add3A_80 : i32
    %eq3A_82 = vector.broadcast %add3A_81 : i32 to vector<1x256xi32>
    %eq3A_83 = arith.cmpi eq, %iota3A, %eq3A_82 : vector<1x256xi32>
    %convert_element_type3A_84 = arith.extui %eq3A_83 : vector<1x256xi1> to vector<1x256xi32>
    %convert_element_type3A_85 = arith.sitofp %convert_element_type3A_84 : vector<1x256xi32> to vector<1x256xf32>
    %mul3A_86 = vector.broadcast %convert_element_type3A_85 : vector<1x256xf32> to vector<96x256xf32>
    %mul3A_87 = arith.mulf %get3A_1, %mul3A_86 : vector<96x256xf32>
    %reduce_sum3A_88 = arith.constant dense<0.000000e+00> : vector<96xf32>
    %reduce_sum3A_89 = vector.multi_reduction <add>, %mul3A_87, %reduce_sum3A_88 [1] : vector<96x256xf32> to vector<96xf32>
    %broadcast_in_dim3A_90 = vector.shape_cast %reduce_sum3A_89 : vector<96xf32> to vector<96x1xf32>
    %mul3A_91 = vector.broadcast %broadcast_in_dim3A_90 : vector<96x1xf32> to vector<96x256xf32>
    %mul3A_92 = arith.mulf %mul3A_91, %get3A_4 : vector<96x256xf32>
    %dot_general3A_93 = arith.constant dense<0.000000e+00> : vector<256x256xf32>
    %dot_general3A_94 = tpu.matmul %mul3A_92, %get3A_7, %dot_general3A_93 {dimension_numbers = #tpu.dot_dimension_numbers<[0], [0], [1], [1], [0, 1, 1, 1], [], []>, transpose_lhs_hint = false} : vector<96x256xf32>, vector<96x256xf32>, vector<256x256xf32> -> vector<256x256xf32>
    %roll3A_95 = arith.constant 255 : i32
    %roll3A_96 = tpu.dynamic_rotate %dot_general3A_94 by %roll3A_95 dim 1 : vector<256x256xf32>, i32 -> vector<256x256xf32>
    %bitcast_convert_type3A_97 = tpu.bitcast %dot_general3A_94 : vector<256x256xf32> -> vector<256x256xi32>
    %bitcast_convert_type3A_98 = tpu.bitcast %roll3A_96 : vector<256x256xf32> -> vector<256x256xi32>
    %add3A_99 = arith.constant 32768 : i32
    %add3A_100 = vector.broadcast %add3A_99 : i32 to vector<256x256xi32>
    %add3A_101 = arith.addi %bitcast_convert_type3A_97, %add3A_100 : vector<256x256xi32>
    %shift_right_logical3A_102 = arith.constant 16 : i32
    %shift_right_logical3A_103 = vector.broadcast %shift_right_logical3A_102 : i32 to vector<256x256xi32>
    %shift_right_logical3A_104 = arith.shrui %add3A_101, %shift_right_logical3A_103 : vector<256x256xi32>
    %add3A_105 = arith.constant 32768 : i32
    %add3A_106 = vector.broadcast %add3A_105 : i32 to vector<256x256xi32>
    %add3A_107 = arith.addi %bitcast_convert_type3A_98, %add3A_106 : vector<256x256xi32>
    %and3A_108 = arith.constant -65536 : i32
    %and3A_109 = vector.broadcast %and3A_108 : i32 to vector<256x256xi32>
    %and3A_110 = arith.andi %add3A_107, %and3A_109 : vector<256x256xi32>
    %or3A_111 = arith.ori %shift_right_logical3A_104, %and3A_110 : vector<256x256xi32>
    %slice3A_112 = vector.extract_strided_slice %or3A_111 {offsets = [0, 0], sizes = [256, 128], strides = [1, 1]} : vector<256x256xi32> to vector<256x128xi32>
    %swap3A_113 = arith.constant 1024 : index
    %swap3A_114 = arith.constant 0 : index
    %swap3A_115 = vector.load %arg5[%swap3A_113, %swap3A_114] : memref<8192x128xi32, #tpu.memory_space<vmem>>, vector<256x128xi32>
    tpu.vector_store %arg5[%swap3A_113, %swap3A_114], %slice3A_112 {strides = array<i32>} : memref<8192x128xi32, #tpu.memory_space<vmem>>, vector<256x128xi32>,
    %slice3A_116 = vector.extract_strided_slice %or3A_111 {offsets = [0, 128], sizes = [256, 128], strides = [1, 1]} : vector<256x256xi32> to vector<256x128xi32>
    %swap3A_117 = arith.constant 1280 : index
    %swap3A_118 = arith.constant 0 : index
    %swap3A_119 = vector.load %arg5[%swap3A_117, %swap3A_118] : memref<8192x128xi32, #tpu.memory_space<vmem>>, vector<256x128xi32>
    tpu.vector_store %arg5[%swap3A_117, %swap3A_118], %slice3A_116 {strides = array<i32>} : memref<8192x128xi32, #tpu.memory_space<vmem>>, vector<256x128xi32>,
    %mul3A_120 = arith.constant 16 : i32
    %mul3A_121 = arith.muli %arg0, %mul3A_120 : i32
    %add3A_122 = arith.constant 3 : i32
    %add3A_123 = arith.addi %mul3A_121, %add3A_122 : i32
    %eq3A_124 = vector.broadcast %add3A_123 : i32 to vector<1x256xi32>
    %eq3A_125 = arith.cmpi eq, %iota3A, %eq3A_124 : vector<1x256xi32>
    %convert_element_type3A_126 = arith.extui %eq3A_125 : vector<1x256xi1> to vector<1x256xi32>
    %convert_element_type3A_127 = arith.sitofp %convert_element_type3A_126 : vector<1x256xi32> to vector<1x256xf32>
    %mul3A_128 = vector.broadcast %convert_element_type3A_127 : vector<1x256xf32> to vector<96x256xf32>
    %mul3A_129 = arith.mulf %get3A_1, %mul3A_128 : vector<96x256xf32>
    %reduce_sum3A_130 = arith.constant dense<0.000000e+00> : vector<96xf32>
    %reduce_sum3A_131 = vector.multi_reduction <add>, %mul3A_129, %reduce_sum3A_130 [1] : vector<96x256xf32> to vector<96xf32>
    %broadcast_in_dim3A_132 = vector.shape_cast %reduce_sum3A_131 : vector<96xf32> to vector<96x1xf32>
    %mul3A_133 = vector.broadcast %broadcast_in_dim3A_132 : vector<96x1xf32> to vector<96x256xf32>
    %mul3A_134 = arith.mulf %mul3A_133, %get3A_4 : vector<96x256xf32>
    %dot_general3A_135 = arith.constant dense<0.000000e+00> : vector<256x256xf32>
    %dot_general3A_136 = tpu.matmul %mul3A_134, %get3A_7, %dot_general3A_135 {dimension_numbers = #tpu.dot_dimension_numbers<[0], [0], [1], [1], [0, 1, 1, 1], [], []>, transpose_lhs_hint = false} : vector<96x256xf32>, vector<96x256xf32>, vector<256x256xf32> -> vector<256x256xf32>
    %roll3A_137 = arith.constant 255 : i32
    %roll3A_138 = tpu.dynamic_rotate %dot_general3A_136 by %roll3A_137 dim 1 : vector<256x256xf32>, i32 -> vector<256x256xf32>
    %bitcast_convert_type3A_139 = tpu.bitcast %dot_general3A_136 : vector<256x256xf32> -> vector<256x256xi32>
    %bitcast_convert_type3A_140 = tpu.bitcast %roll3A_138 : vector<256x256xf32> -> vector<256x256xi32>
    %add3A_141 = arith.constant 32768 : i32
    %add3A_142 = vector.broadcast %add3A_141 : i32 to vector<256x256xi32>
    %add3A_143 = arith.addi %bitcast_convert_type3A_139, %add3A_142 : vector<256x256xi32>
    %shift_right_logical3A_144 = arith.constant 16 : i32
    %shift_right_logical3A_145 = vector.broadcast %shift_right_logical3A_144 : i32 to vector<256x256xi32>
    %shift_right_logical3A_146 = arith.shrui %add3A_143, %shift_right_logical3A_145 : vector<256x256xi32>
    %add3A_147 = arith.constant 32768 : i32
    %add3A_148 = vector.broadcast %add3A_147 : i32 to vector<256x256xi32>
    %add3A_149 = arith.addi %bitcast_convert_type3A_140, %add3A_148 : vector<256x256xi32>
    %and3A_150 = arith.constant -65536 : i32
    %and3A_151 = vector.broadcast %and3A_150 : i32 to vector<256x256xi32>
    %and3A_152 = arith.andi %add3A_149, %and3A_151 : vector<256x256xi32>
    %or3A_153 = arith.ori %shift_right_logical3A_146, %and3A_152 : vector<256x256xi32>
    %slice3A_154 = vector.extract_strided_slice %or3A_153 {offsets = [0, 0], sizes = [256, 128], strides = [1, 1]} : vector<256x256xi32> to vector<256x128xi32>
    %swap3A_155 = arith.constant 1536 : index
    %swap3A_156 = arith.constant 0 : index
    %swap3A_157 = vector.load %arg5[%swap3A_155, %swap3A_156] : memref<8192x128xi32, #tpu.memory_space<vmem>>, vector<256x128xi32>
    tpu.vector_store %arg5[%swap3A_155, %swap3A_156], %slice3A_154 {strides = array<i32>} : memref<8192x128xi32, #tpu.memory_space<vmem>>, vector<256x128xi32>,
    %slice3A_158 = vector.extract_strided_slice %or3A_153 {offsets = [0, 128], sizes = [256, 128], strides = [1, 1]} : vector<256x256xi32> to vector<256x128xi32>
    %swap3A_159 = arith.constant 1792 : index
    %swap3A_160 = arith.constant 0 : index
    %swap3A_161 = vector.load %arg5[%swap3A_159, %swap3A_160] : memref<8192x128xi32, #tpu.memory_space<vmem>>, vector<256x128xi32>
    tpu.vector_store %arg5[%swap3A_159, %swap3A_160], %slice3A_158 {strides = array<i32>} : memref<8192x128xi32, #tpu.memory_space<vmem>>, vector<256x128xi32>,
    %mul3A_162 = arith.constant 16 : i32
    %mul3A_163 = arith.muli %arg0, %mul3A_162 : i32
    %add3A_164 = arith.constant 4 : i32
    %add3A_165 = arith.addi %mul3A_163, %add3A_164 : i32
    %eq3A_166 = vector.broadcast %add3A_165 : i32 to vector<1x256xi32>
    %eq3A_167 = arith.cmpi eq, %iota3A, %eq3A_166 : vector<1x256xi32>
    %convert_element_type3A_168 = arith.extui %eq3A_167 : vector<1x256xi1> to vector<1x256xi32>
    %convert_element_type3A_169 = arith.sitofp %convert_element_type3A_168 : vector<1x256xi32> to vector<1x256xf32>
    %mul3A_170 = vector.broadcast %convert_element_type3A_169 : vector<1x256xf32> to vector<96x256xf32>
    %mul3A_171 = arith.mulf %get3A_1, %mul3A_170 : vector<96x256xf32>
    %reduce_sum3A_172 = arith.constant dense<0.000000e+00> : vector<96xf32>
    %reduce_sum3A_173 = vector.multi_reduction <add>, %mul3A_171, %reduce_sum3A_172 [1] : vector<96x256xf32> to vector<96xf32>
    %broadcast_in_dim3A_174 = vector.shape_cast %reduce_sum3A_173 : vector<96xf32> to vector<96x1xf32>
    %mul3A_175 = vector.broadcast %broadcast_in_dim3A_174 : vector<96x1xf32> to vector<96x256xf32>
    %mul3A_176 = arith.mulf %mul3A_175, %get3A_4 : vector<96x256xf32>
    %dot_general3A_177 = arith.constant dense<0.000000e+00> : vector<256x256xf32>
    %dot_general3A_178 = tpu.matmul %mul3A_176, %get3A_7, %dot_general3A_177 {dimension_numbers = #tpu.dot_dimension_numbers<[0], [0], [1], [1], [0, 1, 1, 1], [], []>, transpose_lhs_hint = false} : vector<96x256xf32>, vector<96x256xf32>, vector<256x256xf32> -> vector<256x256xf32>
    %roll3A_179 = arith.constant 255 : i32
    %roll3A_180 = tpu.dynamic_rotate %dot_general3A_178 by %roll3A_179 dim 1 : vector<256x256xf32>, i32 -> vector<256x256xf32>
    %bitcast_convert_type3A_181 = tpu.bitcast %dot_general3A_178 : vector<256x256xf32> -> vector<256x256xi32>
    %bitcast_convert_type3A_182 = tpu.bitcast %roll3A_180 : vector<256x256xf32> -> vector<256x256xi32>
    %add3A_183 = arith.constant 32768 : i32
    %add3A_184 = vector.broadcast %add3A_183 : i32 to vector<256x256xi32>
    %add3A_185 = arith.addi %bitcast_convert_type3A_181, %add3A_184 : vector<256x256xi32>
    %shift_right_logical3A_186 = arith.constant 16 : i32
    %shift_right_logical3A_187 = vector.broadcast %shift_right_logical3A_186 : i32 to vector<256x256xi32>
    %shift_right_logical3A_188 = arith.shrui %add3A_185, %shift_right_logical3A_187 : vector<256x256xi32>
    %add3A_189 = arith.constant 32768 : i32
    %add3A_190 = vector.broadcast %add3A_189 : i32 to vector<256x256xi32>
    %add3A_191 = arith.addi %bitcast_convert_type3A_182, %add3A_190 : vector<256x256xi32>
    %and3A_192 = arith.constant -65536 : i32
    %and3A_193 = vector.broadcast %and3A_192 : i32 to vector<256x256xi32>
    %and3A_194 = arith.andi %add3A_191, %and3A_193 : vector<256x256xi32>
    %or3A_195 = arith.ori %shift_right_logical3A_188, %and3A_194 : vector<256x256xi32>
    %slice3A_196 = vector.extract_strided_slice %or3A_195 {offsets = [0, 0], sizes = [256, 128], strides = [1, 1]} : vector<256x256xi32> to vector<256x128xi32>
    %swap3A_197 = arith.constant 2048 : index
    %swap3A_198 = arith.constant 0 : index
    %swap3A_199 = vector.load %arg5[%swap3A_197, %swap3A_198] : memref<8192x128xi32, #tpu.memory_space<vmem>>, vector<256x128xi32>
    tpu.vector_store %arg5[%swap3A_197, %swap3A_198], %slice3A_196 {strides = array<i32>} : memref<8192x128xi32, #tpu.memory_space<vmem>>, vector<256x128xi32>,
    %slice3A_200 = vector.extract_strided_slice %or3A_195 {offsets = [0, 128], sizes = [256, 128], strides = [1, 1]} : vector<256x256xi32> to vector<256x128xi32>
    %swap3A_201 = arith.constant 2304 : index
    %swap3A_202 = arith.constant 0 : index
    %swap3A_203 = vector.load %arg5[%swap3A_201, %swap3A_202] : memref<8192x128xi32, #tpu.memory_space<vmem>>, vector<256x128xi32>
    tpu.vector_store %arg5[%swap3A_201, %swap3A_202], %slice3A_200 {strides = array<i32>} : memref<8192x128xi32, #tpu.memory_space<vmem>>, vector<256x128xi32>,
    %mul3A_204 = arith.constant 16 : i32
    %mul3A_205 = arith.muli %arg0, %mul3A_204 : i32
    %add3A_206 = arith.constant 5 : i32
    %add3A_207 = arith.addi %mul3A_205, %add3A_206 : i32
    %eq3A_208 = vector.broadcast %add3A_207 : i32 to vector<1x256xi32>
    %eq3A_209 = arith.cmpi eq, %iota3A, %eq3A_208 : vector<1x256xi32>
    %convert_element_type3A_210 = arith.extui %eq3A_209 : vector<1x256xi1> to vector<1x256xi32>
    %convert_element_type3A_211 = arith.sitofp %convert_element_type3A_210 : vector<1x256xi32> to vector<1x256xf32>
    %mul3A_212 = vector.broadcast %convert_element_type3A_211 : vector<1x256xf32> to vector<96x256xf32>
    %mul3A_213 = arith.mulf %get3A_1, %mul3A_212 : vector<96x256xf32>
    %reduce_sum3A_214 = arith.constant dense<0.000000e+00> : vector<96xf32>
    %reduce_sum3A_215 = vector.multi_reduction <add>, %mul3A_213, %reduce_sum3A_214 [1] : vector<96x256xf32> to vector<96xf32>
    %broadcast_in_dim3A_216 = vector.shape_cast %reduce_sum3A_215 : vector<96xf32> to vector<96x1xf32>
    %mul3A_217 = vector.broadcast %broadcast_in_dim3A_216 : vector<96x1xf32> to vector<96x256xf32>
    %mul3A_218 = arith.mulf %mul3A_217, %get3A_4 : vector<96x256xf32>
    %dot_general3A_219 = arith.constant dense<0.000000e+00> : vector<256x256xf32>
    %dot_general3A_220 = tpu.matmul %mul3A_218, %get3A_7, %dot_general3A_219 {dimension_numbers = #tpu.dot_dimension_numbers<[0], [0], [1], [1], [0, 1, 1, 1], [], []>, transpose_lhs_hint = false} : vector<96x256xf32>, vector<96x256xf32>, vector<256x256xf32> -> vector<256x256xf32>
    %roll3A_221 = arith.constant 255 : i32
    %roll3A_222 = tpu.dynamic_rotate %dot_general3A_220 by %roll3A_221 dim 1 : vector<256x256xf32>, i32 -> vector<256x256xf32>
    %bitcast_convert_type3A_223 = tpu.bitcast %dot_general3A_220 : vector<256x256xf32> -> vector<256x256xi32>
    %bitcast_convert_type3A_224 = tpu.bitcast %roll3A_222 : vector<256x256xf32> -> vector<256x256xi32>
    %add3A_225 = arith.constant 32768 : i32
    %add3A_226 = vector.broadcast %add3A_225 : i32 to vector<256x256xi32>
    %add3A_227 = arith.addi %bitcast_convert_type3A_223, %add3A_226 : vector<256x256xi32>
    %shift_right_logical3A_228 = arith.constant 16 : i32
    %shift_right_logical3A_229 = vector.broadcast %shift_right_logical3A_228 : i32 to vector<256x256xi32>
    %shift_right_logical3A_230 = arith.shrui %add3A_227, %shift_right_logical3A_229 : vector<256x256xi32>
    %add3A_231 = arith.constant 32768 : i32
    %add3A_232 = vector.broadcast %add3A_231 : i32 to vector<256x256xi32>
    %add3A_233 = arith.addi %bitcast_convert_type3A_224, %add3A_232 : vector<256x256xi32>
    %and3A_234 = arith.constant -65536 : i32
    %and3A_235 = vector.broadcast %and3A_234 : i32 to vector<256x256xi32>
    %and3A_236 = arith.andi %add3A_233, %and3A_235 : vector<256x256xi32>
    %or3A_237 = arith.ori %shift_right_logical3A_230, %and3A_236 : vector<256x256xi32>
    %slice3A_238 = vector.extract_strided_slice %or3A_237 {offsets = [0, 0], sizes = [256, 128], strides = [1, 1]} : vector<256x256xi32> to vector<256x128xi32>
    %swap3A_239 = arith.constant 2560 : index
    %swap3A_240 = arith.constant 0 : index
    %swap3A_241 = vector.load %arg5[%swap3A_239, %swap3A_240] : memref<8192x128xi32, #tpu.memory_space<vmem>>, vector<256x128xi32>
    tpu.vector_store %arg5[%swap3A_239, %swap3A_240], %slice3A_238 {strides = array<i32>} : memref<8192x128xi32, #tpu.memory_space<vmem>>, vector<256x128xi32>,
    %slice3A_242 = vector.extract_strided_slice %or3A_237 {offsets = [0, 128], sizes = [256, 128], strides = [1, 1]} : vector<256x256xi32> to vector<256x128xi32>
    %swap3A_243 = arith.constant 2816 : index
    %swap3A_244 = arith.constant 0 : index
    %swap3A_245 = vector.load %arg5[%swap3A_243, %swap3A_244] : memref<8192x128xi32, #tpu.memory_space<vmem>>, vector<256x128xi32>
    tpu.vector_store %arg5[%swap3A_243, %swap3A_244], %slice3A_242 {strides = array<i32>} : memref<8192x128xi32, #tpu.memory_space<vmem>>, vector<256x128xi32>,
    %mul3A_246 = arith.constant 16 : i32
    %mul3A_247 = arith.muli %arg0, %mul3A_246 : i32
    %add3A_248 = arith.constant 6 : i32
    %add3A_249 = arith.addi %mul3A_247, %add3A_248 : i32
    %eq3A_250 = vector.broadcast %add3A_249 : i32 to vector<1x256xi32>
    %eq3A_251 = arith.cmpi eq, %iota3A, %eq3A_250 : vector<1x256xi32>
    %convert_element_type3A_252 = arith.extui %eq3A_251 : vector<1x256xi1> to vector<1x256xi32>
    %convert_element_type3A_253 = arith.sitofp %convert_element_type3A_252 : vector<1x256xi32> to vector<1x256xf32>
    %mul3A_254 = vector.broadcast %convert_element_type3A_253 : vector<1x256xf32> to vector<96x256xf32>
    %mul3A_255 = arith.mulf %get3A_1, %mul3A_254 : vector<96x256xf32>
    %reduce_sum3A_256 = arith.constant dense<0.000000e+00> : vector<96xf32>
    %reduce_sum3A_257 = vector.multi_reduction <add>, %mul3A_255, %reduce_sum3A_256 [1] : vector<96x256xf32> to vector<96xf32>
    %broadcast_in_dim3A_258 = vector.shape_cast %reduce_sum3A_257 : vector<96xf32> to vector<96x1xf32>
    %mul3A_259 = vector.broadcast %broadcast_in_dim3A_258 : vector<96x1xf32> to vector<96x256xf32>
    %mul3A_260 = arith.mulf %mul3A_259, %get3A_4 : vector<96x256xf32>
    %dot_general3A_261 = arith.constant dense<0.000000e+00> : vector<256x256xf32>
    %dot_general3A_262 = tpu.matmul %mul3A_260, %get3A_7, %dot_general3A_261 {dimension_numbers = #tpu.dot_dimension_numbers<[0], [0], [1], [1], [0, 1, 1, 1], [], []>, transpose_lhs_hint = false} : vector<96x256xf32>, vector<96x256xf32>, vector<256x256xf32> -> vector<256x256xf32>
    %roll3A_263 = arith.constant 255 : i32
    %roll3A_264 = tpu.dynamic_rotate %dot_general3A_262 by %roll3A_263 dim 1 : vector<256x256xf32>, i32 -> vector<256x256xf32>
    %bitcast_convert_type3A_265 = tpu.bitcast %dot_general3A_262 : vector<256x256xf32> -> vector<256x256xi32>
    %bitcast_convert_type3A_266 = tpu.bitcast %roll3A_264 : vector<256x256xf32> -> vector<256x256xi32>
    %add3A_267 = arith.constant 32768 : i32
    %add3A_268 = vector.broadcast %add3A_267 : i32 to vector<256x256xi32>
    %add3A_269 = arith.addi %bitcast_convert_type3A_265, %add3A_268 : vector<256x256xi32>
    %shift_right_logical3A_270 = arith.constant 16 : i32
    %shift_right_logical3A_271 = vector.broadcast %shift_right_logical3A_270 : i32 to vector<256x256xi32>
    %shift_right_logical3A_272 = arith.shrui %add3A_269, %shift_right_logical3A_271 : vector<256x256xi32>
    %add3A_273 = arith.constant 32768 : i32
    %add3A_274 = vector.broadcast %add3A_273 : i32 to vector<256x256xi32>
    %add3A_275 = arith.addi %bitcast_convert_type3A_266, %add3A_274 : vector<256x256xi32>
    %and3A_276 = arith.constant -65536 : i32
    %and3A_277 = vector.broadcast %and3A_276 : i32 to vector<256x256xi32>
    %and3A_278 = arith.andi %add3A_275, %and3A_277 : vector<256x256xi32>
    %or3A_279 = arith.ori %shift_right_logical3A_272, %and3A_278 : vector<256x256xi32>
    %slice3A_280 = vector.extract_strided_slice %or3A_279 {offsets = [0, 0], sizes = [256, 128], strides = [1, 1]} : vector<256x256xi32> to vector<256x128xi32>
    %swap3A_281 = arith.constant 3072 : index
    %swap3A_282 = arith.constant 0 : index
    %swap3A_283 = vector.load %arg5[%swap3A_281, %swap3A_282] : memref<8192x128xi32, #tpu.memory_space<vmem>>, vector<256x128xi32>
    tpu.vector_store %arg5[%swap3A_281, %swap3A_282], %slice3A_280 {strides = array<i32>} : memref<8192x128xi32, #tpu.memory_space<vmem>>, vector<256x128xi32>,
    %slice3A_284 = vector.extract_strided_slice %or3A_279 {offsets = [0, 128], sizes = [256, 128], strides = [1, 1]} : vector<256x256xi32> to vector<256x128xi32>
    %swap3A_285 = arith.constant 3328 : index
    %swap3A_286 = arith.constant 0 : index
    %swap3A_287 = vector.load %arg5[%swap3A_285, %swap3A_286] : memref<8192x128xi32, #tpu.memory_space<vmem>>, vector<256x128xi32>
    tpu.vector_store %arg5[%swap3A_285, %swap3A_286], %slice3A_284 {strides = array<i32>} : memref<8192x128xi32, #tpu.memory_space<vmem>>, vector<256x128xi32>,
    %mul3A_288 = arith.constant 16 : i32
    %mul3A_289 = arith.muli %arg0, %mul3A_288 : i32
    %add3A_290 = arith.constant 7 : i32
    %add3A_291 = arith.addi %mul3A_289, %add3A_290 : i32
    %eq3A_292 = vector.broadcast %add3A_291 : i32 to vector<1x256xi32>
    %eq3A_293 = arith.cmpi eq, %iota3A, %eq3A_292 : vector<1x256xi32>
    %convert_element_type3A_294 = arith.extui %eq3A_293 : vector<1x256xi1> to vector<1x256xi32>
    %convert_element_type3A_295 = arith.sitofp %convert_element_type3A_294 : vector<1x256xi32> to vector<1x256xf32>
    %mul3A_296 = vector.broadcast %convert_element_type3A_295 : vector<1x256xf32> to vector<96x256xf32>
    %mul3A_297 = arith.mulf %get3A_1, %mul3A_296 : vector<96x256xf32>
    %reduce_sum3A_298 = arith.constant dense<0.000000e+00> : vector<96xf32>
    %reduce_sum3A_299 = vector.multi_reduction <add>, %mul3A_297, %reduce_sum3A_298 [1] : vector<96x256xf32> to vector<96xf32>
    %broadcast_in_dim3A_300 = vector.shape_cast %reduce_sum3A_299 : vector<96xf32> to vector<96x1xf32>
    %mul3A_301 = vector.broadcast %broadcast_in_dim3A_300 : vector<96x1xf32> to vector<96x256xf32>
    %mul3A_302 = arith.mulf %mul3A_301, %get3A_4 : vector<96x256xf32>
    %dot_general3A_303 = arith.constant dense<0.000000e+00> : vector<256x256xf32>
    %dot_general3A_304 = tpu.matmul %mul3A_302, %get3A_7, %dot_general3A_303 {dimension_numbers = #tpu.dot_dimension_numbers<[0], [0], [1], [1], [0, 1, 1, 1], [], []>, transpose_lhs_hint = false} : vector<96x256xf32>, vector<96x256xf32>, vector<256x256xf32> -> vector<256x256xf32>
    %roll3A_305 = arith.constant 255 : i32
    %roll3A_306 = tpu.dynamic_rotate %dot_general3A_304 by %roll3A_305 dim 1 : vector<256x256xf32>, i32 -> vector<256x256xf32>
    %bitcast_convert_type3A_307 = tpu.bitcast %dot_general3A_304 : vector<256x256xf32> -> vector<256x256xi32>
    %bitcast_convert_type3A_308 = tpu.bitcast %roll3A_306 : vector<256x256xf32> -> vector<256x256xi32>
    %add3A_309 = arith.constant 32768 : i32
    %add3A_310 = vector.broadcast %add3A_309 : i32 to vector<256x256xi32>
    %add3A_311 = arith.addi %bitcast_convert_type3A_307, %add3A_310 : vector<256x256xi32>
    %shift_right_logical3A_312 = arith.constant 16 : i32
    %shift_right_logical3A_313 = vector.broadcast %shift_right_logical3A_312 : i32 to vector<256x256xi32>
    %shift_right_logical3A_314 = arith.shrui %add3A_311, %shift_right_logical3A_313 : vector<256x256xi32>
    %add3A_315 = arith.constant 32768 : i32
    %add3A_316 = vector.broadcast %add3A_315 : i32 to vector<256x256xi32>
    %add3A_317 = arith.addi %bitcast_convert_type3A_308, %add3A_316 : vector<256x256xi32>
    %and3A_318 = arith.constant -65536 : i32
    %and3A_319 = vector.broadcast %and3A_318 : i32 to vector<256x256xi32>
    %and3A_320 = arith.andi %add3A_317, %and3A_319 : vector<256x256xi32>
    %or3A_321 = arith.ori %shift_right_logical3A_314, %and3A_320 : vector<256x256xi32>
    %slice3A_322 = vector.extract_strided_slice %or3A_321 {offsets = [0, 0], sizes = [256, 128], strides = [1, 1]} : vector<256x256xi32> to vector<256x128xi32>
    %swap3A_323 = arith.constant 3584 : index
    %swap3A_324 = arith.constant 0 : index
    %swap3A_325 = vector.load %arg5[%swap3A_323, %swap3A_324] : memref<8192x128xi32, #tpu.memory_space<vmem>>, vector<256x128xi32>
    tpu.vector_store %arg5[%swap3A_323, %swap3A_324], %slice3A_322 {strides = array<i32>} : memref<8192x128xi32, #tpu.memory_space<vmem>>, vector<256x128xi32>,
    %slice3A_326 = vector.extract_strided_slice %or3A_321 {offsets = [0, 128], sizes = [256, 128], strides = [1, 1]} : vector<256x256xi32> to vector<256x128xi32>
    %swap3A_327 = arith.constant 3840 : index
    %swap3A_328 = arith.constant 0 : index
    %swap3A_329 = vector.load %arg5[%swap3A_327, %swap3A_328] : memref<8192x128xi32, #tpu.memory_space<vmem>>, vector<256x128xi32>
    tpu.vector_store %arg5[%swap3A_327, %swap3A_328], %slice3A_326 {strides = array<i32>} : memref<8192x128xi32, #tpu.memory_space<vmem>>, vector<256x128xi32>,
    %mul3A_330 = arith.constant 16 : i32
    %mul3A_331 = arith.muli %arg0, %mul3A_330 : i32
    %add3A_332 = arith.constant 8 : i32
    %add3A_333 = arith.addi %mul3A_331, %add3A_332 : i32
    %eq3A_334 = vector.broadcast %add3A_333 : i32 to vector<1x256xi32>
    %eq3A_335 = arith.cmpi eq, %iota3A, %eq3A_334 : vector<1x256xi32>
    %convert_element_type3A_336 = arith.extui %eq3A_335 : vector<1x256xi1> to vector<1x256xi32>
    %convert_element_type3A_337 = arith.sitofp %convert_element_type3A_336 : vector<1x256xi32> to vector<1x256xf32>
    %mul3A_338 = vector.broadcast %convert_element_type3A_337 : vector<1x256xf32> to vector<96x256xf32>
    %mul3A_339 = arith.mulf %get3A_1, %mul3A_338 : vector<96x256xf32>
    %reduce_sum3A_340 = arith.constant dense<0.000000e+00> : vector<96xf32>
    %reduce_sum3A_341 = vector.multi_reduction <add>, %mul3A_339, %reduce_sum3A_340 [1] : vector<96x256xf32> to vector<96xf32>
    %broadcast_in_dim3A_342 = vector.shape_cast %reduce_sum3A_341 : vector<96xf32> to vector<96x1xf32>
    %mul3A_343 = vector.broadcast %broadcast_in_dim3A_342 : vector<96x1xf32> to vector<96x256xf32>
    %mul3A_344 = arith.mulf %mul3A_343, %get3A_4 : vector<96x256xf32>
    %dot_general3A_345 = arith.constant dense<0.000000e+00> : vector<256x256xf32>
    %dot_general3A_346 = tpu.matmul %mul3A_344, %get3A_7, %dot_general3A_345 {dimension_numbers = #tpu.dot_dimension_numbers<[0], [0], [1], [1], [0, 1, 1, 1], [], []>, transpose_lhs_hint = false} : vector<96x256xf32>, vector<96x256xf32>, vector<256x256xf32> -> vector<256x256xf32>
    %roll3A_347 = arith.constant 255 : i32
    %roll3A_348 = tpu.dynamic_rotate %dot_general3A_346 by %roll3A_347 dim 1 : vector<256x256xf32>, i32 -> vector<256x256xf32>
    %bitcast_convert_type3A_349 = tpu.bitcast %dot_general3A_346 : vector<256x256xf32> -> vector<256x256xi32>
    %bitcast_convert_type3A_350 = tpu.bitcast %roll3A_348 : vector<256x256xf32> -> vector<256x256xi32>
    %add3A_351 = arith.constant 32768 : i32
    %add3A_352 = vector.broadcast %add3A_351 : i32 to vector<256x256xi32>
    %add3A_353 = arith.addi %bitcast_convert_type3A_349, %add3A_352 : vector<256x256xi32>
    %shift_right_logical3A_354 = arith.constant 16 : i32
    %shift_right_logical3A_355 = vector.broadcast %shift_right_logical3A_354 : i32 to vector<256x256xi32>
    %shift_right_logical3A_356 = arith.shrui %add3A_353, %shift_right_logical3A_355 : vector<256x256xi32>
    %add3A_357 = arith.constant 32768 : i32
    %add3A_358 = vector.broadcast %add3A_357 : i32 to vector<256x256xi32>
    %add3A_359 = arith.addi %bitcast_convert_type3A_350, %add3A_358 : vector<256x256xi32>
    %and3A_360 = arith.constant -65536 : i32
    %and3A_361 = vector.broadcast %and3A_360 : i32 to vector<256x256xi32>
    %and3A_362 = arith.andi %add3A_359, %and3A_361 : vector<256x256xi32>
    %or3A_363 = arith.ori %shift_right_logical3A_356, %and3A_362 : vector<256x256xi32>
    %slice3A_364 = vector.extract_strided_slice %or3A_363 {offsets = [0, 0], sizes = [256, 128], strides = [1, 1]} : vector<256x256xi32> to vector<256x128xi32>
    %swap3A_365 = arith.constant 4096 : index
    %swap3A_366 = arith.constant 0 : index
    %swap3A_367 = vector.load %arg5[%swap3A_365, %swap3A_366] : memref<8192x128xi32, #tpu.memory_space<vmem>>, vector<256x128xi32>
    tpu.vector_store %arg5[%swap3A_365, %swap3A_366], %slice3A_364 {strides = array<i32>} : memref<8192x128xi32, #tpu.memory_space<vmem>>, vector<256x128xi32>,
    %slice3A_368 = vector.extract_strided_slice %or3A_363 {offsets = [0, 128], sizes = [256, 128], strides = [1, 1]} : vector<256x256xi32> to vector<256x128xi32>
    %swap3A_369 = arith.constant 4352 : index
    %swap3A_370 = arith.constant 0 : index
    %swap3A_371 = vector.load %arg5[%swap3A_369, %swap3A_370] : memref<8192x128xi32, #tpu.memory_space<vmem>>, vector<256x128xi32>
    tpu.vector_store %arg5[%swap3A_369, %swap3A_370], %slice3A_368 {strides = array<i32>} : memref<8192x128xi32, #tpu.memory_space<vmem>>, vector<256x128xi32>,
    %mul3A_372 = arith.constant 16 : i32
    %mul3A_373 = arith.muli %arg0, %mul3A_372 : i32
    %add3A_374 = arith.constant 9 : i32
    %add3A_375 = arith.addi %mul3A_373, %add3A_374 : i32
    %eq3A_376 = vector.broadcast %add3A_375 : i32 to vector<1x256xi32>
    %eq3A_377 = arith.cmpi eq, %iota3A, %eq3A_376 : vector<1x256xi32>
    %convert_element_type3A_378 = arith.extui %eq3A_377 : vector<1x256xi1> to vector<1x256xi32>
    %convert_element_type3A_379 = arith.sitofp %convert_element_type3A_378 : vector<1x256xi32> to vector<1x256xf32>
    %mul3A_380 = vector.broadcast %convert_element_type3A_379 : vector<1x256xf32> to vector<96x256xf32>
    %mul3A_381 = arith.mulf %get3A_1, %mul3A_380 : vector<96x256xf32>
    %reduce_sum3A_382 = arith.constant dense<0.000000e+00> : vector<96xf32>
    %reduce_sum3A_383 = vector.multi_reduction <add>, %mul3A_381, %reduce_sum3A_382 [1] : vector<96x256xf32> to vector<96xf32>
    %broadcast_in_dim3A_384 = vector.shape_cast %reduce_sum3A_383 : vector<96xf32> to vector<96x1xf32>
    %mul3A_385 = vector.broadcast %broadcast_in_dim3A_384 : vector<96x1xf32> to vector<96x256xf32>
    %mul3A_386 = arith.mulf %mul3A_385, %get3A_4 : vector<96x256xf32>
    %dot_general3A_387 = arith.constant dense<0.000000e+00> : vector<256x256xf32>
    %dot_general3A_388 = tpu.matmul %mul3A_386, %get3A_7, %dot_general3A_387 {dimension_numbers = #tpu.dot_dimension_numbers<[0], [0], [1], [1], [0, 1, 1, 1], [], []>, transpose_lhs_hint = false} : vector<96x256xf32>, vector<96x256xf32>, vector<256x256xf32> -> vector<256x256xf32>
    %roll3A_389 = arith.constant 255 : i32
    %roll3A_390 = tpu.dynamic_rotate %dot_general3A_388 by %roll3A_389 dim 1 : vector<256x256xf32>, i32 -> vector<256x256xf32>
    %bitcast_convert_type3A_391 = tpu.bitcast %dot_general3A_388 : vector<256x256xf32> -> vector<256x256xi32>
    %bitcast_convert_type3A_392 = tpu.bitcast %roll3A_390 : vector<256x256xf32> -> vector<256x256xi32>
    %add3A_393 = arith.constant 32768 : i32
    %add3A_394 = vector.broadcast %add3A_393 : i32 to vector<256x256xi32>
    %add3A_395 = arith.addi %bitcast_convert_type3A_391, %add3A_394 : vector<256x256xi32>
    %shift_right_logical3A_396 = arith.constant 16 : i32
    %shift_right_logical3A_397 = vector.broadcast %shift_right_logical3A_396 : i32 to vector<256x256xi32>
    %shift_right_logical3A_398 = arith.shrui %add3A_395, %shift_right_logical3A_397 : vector<256x256xi32>
    %add3A_399 = arith.constant 32768 : i32
    %add3A_400 = vector.broadcast %add3A_399 : i32 to vector<256x256xi32>
    %add3A_401 = arith.addi %bitcast_convert_type3A_392, %add3A_400 : vector<256x256xi32>
    %and3A_402 = arith.constant -65536 : i32
    %and3A_403 = vector.broadcast %and3A_402 : i32 to vector<256x256xi32>
    %and3A_404 = arith.andi %add3A_401, %and3A_403 : vector<256x256xi32>
    %or3A_405 = arith.ori %shift_right_logical3A_398, %and3A_404 : vector<256x256xi32>
    %slice3A_406 = vector.extract_strided_slice %or3A_405 {offsets = [0, 0], sizes = [256, 128], strides = [1, 1]} : vector<256x256xi32> to vector<256x128xi32>
    %swap3A_407 = arith.constant 4608 : index
    %swap3A_408 = arith.constant 0 : index
    %swap3A_409 = vector.load %arg5[%swap3A_407, %swap3A_408] : memref<8192x128xi32, #tpu.memory_space<vmem>>, vector<256x128xi32>
    tpu.vector_store %arg5[%swap3A_407, %swap3A_408], %slice3A_406 {strides = array<i32>} : memref<8192x128xi32, #tpu.memory_space<vmem>>, vector<256x128xi32>,
    %slice3A_410 = vector.extract_strided_slice %or3A_405 {offsets = [0, 128], sizes = [256, 128], strides = [1, 1]} : vector<256x256xi32> to vector<256x128xi32>
    %swap3A_411 = arith.constant 4864 : index
    %swap3A_412 = arith.constant 0 : index
    %swap3A_413 = vector.load %arg5[%swap3A_411, %swap3A_412] : memref<8192x128xi32, #tpu.memory_space<vmem>>, vector<256x128xi32>
    tpu.vector_store %arg5[%swap3A_411, %swap3A_412], %slice3A_410 {strides = array<i32>} : memref<8192x128xi32, #tpu.memory_space<vmem>>, vector<256x128xi32>,
    %mul3A_414 = arith.constant 16 : i32
    %mul3A_415 = arith.muli %arg0, %mul3A_414 : i32
    %add3A_416 = arith.constant 10 : i32
    %add3A_417 = arith.addi %mul3A_415, %add3A_416 : i32
    %eq3A_418 = vector.broadcast %add3A_417 : i32 to vector<1x256xi32>
    %eq3A_419 = arith.cmpi eq, %iota3A, %eq3A_418 : vector<1x256xi32>
    %convert_element_type3A_420 = arith.extui %eq3A_419 : vector<1x256xi1> to vector<1x256xi32>
    %convert_element_type3A_421 = arith.sitofp %convert_element_type3A_420 : vector<1x256xi32> to vector<1x256xf32>
    %mul3A_422 = vector.broadcast %convert_element_type3A_421 : vector<1x256xf32> to vector<96x256xf32>
    %mul3A_423 = arith.mulf %get3A_1, %mul3A_422 : vector<96x256xf32>
    %reduce_sum3A_424 = arith.constant dense<0.000000e+00> : vector<96xf32>
    %reduce_sum3A_425 = vector.multi_reduction <add>, %mul3A_423, %reduce_sum3A_424 [1] : vector<96x256xf32> to vector<96xf32>
    %broadcast_in_dim3A_426 = vector.shape_cast %reduce_sum3A_425 : vector<96xf32> to vector<96x1xf32>
    %mul3A_427 = vector.broadcast %broadcast_in_dim3A_426 : vector<96x1xf32> to vector<96x256xf32>
    %mul3A_428 = arith.mulf %mul3A_427, %get3A_4 : vector<96x256xf32>
    %dot_general3A_429 = arith.constant dense<0.000000e+00> : vector<256x256xf32>
    %dot_general3A_430 = tpu.matmul %mul3A_428, %get3A_7, %dot_general3A_429 {dimension_numbers = #tpu.dot_dimension_numbers<[0], [0], [1], [1], [0, 1, 1, 1], [], []>, transpose_lhs_hint = false} : vector<96x256xf32>, vector<96x256xf32>, vector<256x256xf32> -> vector<256x256xf32>
    %roll3A_431 = arith.constant 255 : i32
    %roll3A_432 = tpu.dynamic_rotate %dot_general3A_430 by %roll3A_431 dim 1 : vector<256x256xf32>, i32 -> vector<256x256xf32>
    %bitcast_convert_type3A_433 = tpu.bitcast %dot_general3A_430 : vector<256x256xf32> -> vector<256x256xi32>
    %bitcast_convert_type3A_434 = tpu.bitcast %roll3A_432 : vector<256x256xf32> -> vector<256x256xi32>
    %add3A_435 = arith.constant 32768 : i32
    %add3A_436 = vector.broadcast %add3A_435 : i32 to vector<256x256xi32>
    %add3A_437 = arith.addi %bitcast_convert_type3A_433, %add3A_436 : vector<256x256xi32>
    %shift_right_logical3A_438 = arith.constant 16 : i32
    %shift_right_logical3A_439 = vector.broadcast %shift_right_logical3A_438 : i32 to vector<256x256xi32>
    %shift_right_logical3A_440 = arith.shrui %add3A_437, %shift_right_logical3A_439 : vector<256x256xi32>
    %add3A_441 = arith.constant 32768 : i32
    %add3A_442 = vector.broadcast %add3A_441 : i32 to vector<256x256xi32>
    %add3A_443 = arith.addi %bitcast_convert_type3A_434, %add3A_442 : vector<256x256xi32>
    %and3A_444 = arith.constant -65536 : i32
    %and3A_445 = vector.broadcast %and3A_444 : i32 to vector<256x256xi32>
    %and3A_446 = arith.andi %add3A_443, %and3A_445 : vector<256x256xi32>
    %or3A_447 = arith.ori %shift_right_logical3A_440, %and3A_446 : vector<256x256xi32>
    %slice3A_448 = vector.extract_strided_slice %or3A_447 {offsets = [0, 0], sizes = [256, 128], strides = [1, 1]} : vector<256x256xi32> to vector<256x128xi32>
    %swap3A_449 = arith.constant 5120 : index
    %swap3A_450 = arith.constant 0 : index
    %swap3A_451 = vector.load %arg5[%swap3A_449, %swap3A_450] : memref<8192x128xi32, #tpu.memory_space<vmem>>, vector<256x128xi32>
    tpu.vector_store %arg5[%swap3A_449, %swap3A_450], %slice3A_448 {strides = array<i32>} : memref<8192x128xi32, #tpu.memory_space<vmem>>, vector<256x128xi32>,
    %slice3A_452 = vector.extract_strided_slice %or3A_447 {offsets = [0, 128], sizes = [256, 128], strides = [1, 1]} : vector<256x256xi32> to vector<256x128xi32>
    %swap3A_453 = arith.constant 5376 : index
    %swap3A_454 = arith.constant 0 : index
    %swap3A_455 = vector.load %arg5[%swap3A_453, %swap3A_454] : memref<8192x128xi32, #tpu.memory_space<vmem>>, vector<256x128xi32>
    tpu.vector_store %arg5[%swap3A_453, %swap3A_454], %slice3A_452 {strides = array<i32>} : memref<8192x128xi32, #tpu.memory_space<vmem>>, vector<256x128xi32>,
    %mul3A_456 = arith.constant 16 : i32
    %mul3A_457 = arith.muli %arg0, %mul3A_456 : i32
    %add3A_458 = arith.constant 11 : i32
    %add3A_459 = arith.addi %mul3A_457, %add3A_458 : i32
    %eq3A_460 = vector.broadcast %add3A_459 : i32 to vector<1x256xi32>
    %eq3A_461 = arith.cmpi eq, %iota3A, %eq3A_460 : vector<1x256xi32>
    %convert_element_type3A_462 = arith.extui %eq3A_461 : vector<1x256xi1> to vector<1x256xi32>
    %convert_element_type3A_463 = arith.sitofp %convert_element_type3A_462 : vector<1x256xi32> to vector<1x256xf32>
    %mul3A_464 = vector.broadcast %convert_element_type3A_463 : vector<1x256xf32> to vector<96x256xf32>
    %mul3A_465 = arith.mulf %get3A_1, %mul3A_464 : vector<96x256xf32>
    %reduce_sum3A_466 = arith.constant dense<0.000000e+00> : vector<96xf32>
    %reduce_sum3A_467 = vector.multi_reduction <add>, %mul3A_465, %reduce_sum3A_466 [1] : vector<96x256xf32> to vector<96xf32>
    %broadcast_in_dim3A_468 = vector.shape_cast %reduce_sum3A_467 : vector<96xf32> to vector<96x1xf32>
    %mul3A_469 = vector.broadcast %broadcast_in_dim3A_468 : vector<96x1xf32> to vector<96x256xf32>
    %mul3A_470 = arith.mulf %mul3A_469, %get3A_4 : vector<96x256xf32>
    %dot_general3A_471 = arith.constant dense<0.000000e+00> : vector<256x256xf32>
    %dot_general3A_472 = tpu.matmul %mul3A_470, %get3A_7, %dot_general3A_471 {dimension_numbers = #tpu.dot_dimension_numbers<[0], [0], [1], [1], [0, 1, 1, 1], [], []>, transpose_lhs_hint = false} : vector<96x256xf32>, vector<96x256xf32>, vector<256x256xf32> -> vector<256x256xf32>
    %roll3A_473 = arith.constant 255 : i32
    %roll3A_474 = tpu.dynamic_rotate %dot_general3A_472 by %roll3A_473 dim 1 : vector<256x256xf32>, i32 -> vector<256x256xf32>
    %bitcast_convert_type3A_475 = tpu.bitcast %dot_general3A_472 : vector<256x256xf32> -> vector<256x256xi32>
    %bitcast_convert_type3A_476 = tpu.bitcast %roll3A_474 : vector<256x256xf32> -> vector<256x256xi32>
    %add3A_477 = arith.constant 32768 : i32
    %add3A_478 = vector.broadcast %add3A_477 : i32 to vector<256x256xi32>
    %add3A_479 = arith.addi %bitcast_convert_type3A_475, %add3A_478 : vector<256x256xi32>
    %shift_right_logical3A_480 = arith.constant 16 : i32
    %shift_right_logical3A_481 = vector.broadcast %shift_right_logical3A_480 : i32 to vector<256x256xi32>
    %shift_right_logical3A_482 = arith.shrui %add3A_479, %shift_right_logical3A_481 : vector<256x256xi32>
    %add3A_483 = arith.constant 32768 : i32
    %add3A_484 = vector.broadcast %add3A_483 : i32 to vector<256x256xi32>
    %add3A_485 = arith.addi %bitcast_convert_type3A_476, %add3A_484 : vector<256x256xi32>
    %and3A_486 = arith.constant -65536 : i32
    %and3A_487 = vector.broadcast %and3A_486 : i32 to vector<256x256xi32>
    %and3A_488 = arith.andi %add3A_485, %and3A_487 : vector<256x256xi32>
    %or3A_489 = arith.ori %shift_right_logical3A_482, %and3A_488 : vector<256x256xi32>
    %slice3A_490 = vector.extract_strided_slice %or3A_489 {offsets = [0, 0], sizes = [256, 128], strides = [1, 1]} : vector<256x256xi32> to vector<256x128xi32>
    %swap3A_491 = arith.constant 5632 : index
    %swap3A_492 = arith.constant 0 : index
    %swap3A_493 = vector.load %arg5[%swap3A_491, %swap3A_492] : memref<8192x128xi32, #tpu.memory_space<vmem>>, vector<256x128xi32>
    tpu.vector_store %arg5[%swap3A_491, %swap3A_492], %slice3A_490 {strides = array<i32>} : memref<8192x128xi32, #tpu.memory_space<vmem>>, vector<256x128xi32>,
    %slice3A_494 = vector.extract_strided_slice %or3A_489 {offsets = [0, 128], sizes = [256, 128], strides = [1, 1]} : vector<256x256xi32> to vector<256x128xi32>
    %swap3A_495 = arith.constant 5888 : index
    %swap3A_496 = arith.constant 0 : index
    %swap3A_497 = vector.load %arg5[%swap3A_495, %swap3A_496] : memref<8192x128xi32, #tpu.memory_space<vmem>>, vector<256x128xi32>
    tpu.vector_store %arg5[%swap3A_495, %swap3A_496], %slice3A_494 {strides = array<i32>} : memref<8192x128xi32, #tpu.memory_space<vmem>>, vector<256x128xi32>,
    %mul3A_498 = arith.constant 16 : i32
    %mul3A_499 = arith.muli %arg0, %mul3A_498 : i32
    %add3A_500 = arith.constant 12 : i32
    %add3A_501 = arith.addi %mul3A_499, %add3A_500 : i32
    %eq3A_502 = vector.broadcast %add3A_501 : i32 to vector<1x256xi32>
    %eq3A_503 = arith.cmpi eq, %iota3A, %eq3A_502 : vector<1x256xi32>
    %convert_element_type3A_504 = arith.extui %eq3A_503 : vector<1x256xi1> to vector<1x256xi32>
    %convert_element_type3A_505 = arith.sitofp %convert_element_type3A_504 : vector<1x256xi32> to vector<1x256xf32>
    %mul3A_506 = vector.broadcast %convert_element_type3A_505 : vector<1x256xf32> to vector<96x256xf32>
    %mul3A_507 = arith.mulf %get3A_1, %mul3A_506 : vector<96x256xf32>
    %reduce_sum3A_508 = arith.constant dense<0.000000e+00> : vector<96xf32>
    %reduce_sum3A_509 = vector.multi_reduction <add>, %mul3A_507, %reduce_sum3A_508 [1] : vector<96x256xf32> to vector<96xf32>
    %broadcast_in_dim3A_510 = vector.shape_cast %reduce_sum3A_509 : vector<96xf32> to vector<96x1xf32>
    %mul3A_511 = vector.broadcast %broadcast_in_dim3A_510 : vector<96x1xf32> to vector<96x256xf32>
    %mul3A_512 = arith.mulf %mul3A_511, %get3A_4 : vector<96x256xf32>
    %dot_general3A_513 = arith.constant dense<0.000000e+00> : vector<256x256xf32>
    %dot_general3A_514 = tpu.matmul %mul3A_512, %get3A_7, %dot_general3A_513 {dimension_numbers = #tpu.dot_dimension_numbers<[0], [0], [1], [1], [0, 1, 1, 1], [], []>, transpose_lhs_hint = false} : vector<96x256xf32>, vector<96x256xf32>, vector<256x256xf32> -> vector<256x256xf32>
    %roll3A_515 = arith.constant 255 : i32
    %roll3A_516 = tpu.dynamic_rotate %dot_general3A_514 by %roll3A_515 dim 1 : vector<256x256xf32>, i32 -> vector<256x256xf32>
    %bitcast_convert_type3A_517 = tpu.bitcast %dot_general3A_514 : vector<256x256xf32> -> vector<256x256xi32>
    %bitcast_convert_type3A_518 = tpu.bitcast %roll3A_516 : vector<256x256xf32> -> vector<256x256xi32>
    %add3A_519 = arith.constant 32768 : i32
    %add3A_520 = vector.broadcast %add3A_519 : i32 to vector<256x256xi32>
    %add3A_521 = arith.addi %bitcast_convert_type3A_517, %add3A_520 : vector<256x256xi32>
    %shift_right_logical3A_522 = arith.constant 16 : i32
    %shift_right_logical3A_523 = vector.broadcast %shift_right_logical3A_522 : i32 to vector<256x256xi32>
    %shift_right_logical3A_524 = arith.shrui %add3A_521, %shift_right_logical3A_523 : vector<256x256xi32>
    %add3A_525 = arith.constant 32768 : i32
    %add3A_526 = vector.broadcast %add3A_525 : i32 to vector<256x256xi32>
    %add3A_527 = arith.addi %bitcast_convert_type3A_518, %add3A_526 : vector<256x256xi32>
    %and3A_528 = arith.constant -65536 : i32
    %and3A_529 = vector.broadcast %and3A_528 : i32 to vector<256x256xi32>
    %and3A_530 = arith.andi %add3A_527, %and3A_529 : vector<256x256xi32>
    %or3A_531 = arith.ori %shift_right_logical3A_524, %and3A_530 : vector<256x256xi32>
    %slice3A_532 = vector.extract_strided_slice %or3A_531 {offsets = [0, 0], sizes = [256, 128], strides = [1, 1]} : vector<256x256xi32> to vector<256x128xi32>
    %swap3A_533 = arith.constant 6144 : index
    %swap3A_534 = arith.constant 0 : index
    %swap3A_535 = vector.load %arg5[%swap3A_533, %swap3A_534] : memref<8192x128xi32, #tpu.memory_space<vmem>>, vector<256x128xi32>
    tpu.vector_store %arg5[%swap3A_533, %swap3A_534], %slice3A_532 {strides = array<i32>} : memref<8192x128xi32, #tpu.memory_space<vmem>>, vector<256x128xi32>,
    %slice3A_536 = vector.extract_strided_slice %or3A_531 {offsets = [0, 128], sizes = [256, 128], strides = [1, 1]} : vector<256x256xi32> to vector<256x128xi32>
    %swap3A_537 = arith.constant 6400 : index
    %swap3A_538 = arith.constant 0 : index
    %swap3A_539 = vector.load %arg5[%swap3A_537, %swap3A_538] : memref<8192x128xi32, #tpu.memory_space<vmem>>, vector<256x128xi32>
    tpu.vector_store %arg5[%swap3A_537, %swap3A_538], %slice3A_536 {strides = array<i32>} : memref<8192x128xi32, #tpu.memory_space<vmem>>, vector<256x128xi32>,
    %mul3A_540 = arith.constant 16 : i32
    %mul3A_541 = arith.muli %arg0, %mul3A_540 : i32
    %add3A_542 = arith.constant 13 : i32
    %add3A_543 = arith.addi %mul3A_541, %add3A_542 : i32
    %eq3A_544 = vector.broadcast %add3A_543 : i32 to vector<1x256xi32>
    %eq3A_545 = arith.cmpi eq, %iota3A, %eq3A_544 : vector<1x256xi32>
    %convert_element_type3A_546 = arith.extui %eq3A_545 : vector<1x256xi1> to vector<1x256xi32>
    %convert_element_type3A_547 = arith.sitofp %convert_element_type3A_546 : vector<1x256xi32> to vector<1x256xf32>
    %mul3A_548 = vector.broadcast %convert_element_type3A_547 : vector<1x256xf32> to vector<96x256xf32>
    %mul3A_549 = arith.mulf %get3A_1, %mul3A_548 : vector<96x256xf32>
    %reduce_sum3A_550 = arith.constant dense<0.000000e+00> : vector<96xf32>
    %reduce_sum3A_551 = vector.multi_reduction <add>, %mul3A_549, %reduce_sum3A_550 [1] : vector<96x256xf32> to vector<96xf32>
    %broadcast_in_dim3A_552 = vector.shape_cast %reduce_sum3A_551 : vector<96xf32> to vector<96x1xf32>
    %mul3A_553 = vector.broadcast %broadcast_in_dim3A_552 : vector<96x1xf32> to vector<96x256xf32>
    %mul3A_554 = arith.mulf %mul3A_553, %get3A_4 : vector<96x256xf32>
    %dot_general3A_555 = arith.constant dense<0.000000e+00> : vector<256x256xf32>
    %dot_general3A_556 = tpu.matmul %mul3A_554, %get3A_7, %dot_general3A_555 {dimension_numbers = #tpu.dot_dimension_numbers<[0], [0], [1], [1], [0, 1, 1, 1], [], []>, transpose_lhs_hint = false} : vector<96x256xf32>, vector<96x256xf32>, vector<256x256xf32> -> vector<256x256xf32>
    %roll3A_557 = arith.constant 255 : i32
    %roll3A_558 = tpu.dynamic_rotate %dot_general3A_556 by %roll3A_557 dim 1 : vector<256x256xf32>, i32 -> vector<256x256xf32>
    %bitcast_convert_type3A_559 = tpu.bitcast %dot_general3A_556 : vector<256x256xf32> -> vector<256x256xi32>
    %bitcast_convert_type3A_560 = tpu.bitcast %roll3A_558 : vector<256x256xf32> -> vector<256x256xi32>
    %add3A_561 = arith.constant 32768 : i32
    %add3A_562 = vector.broadcast %add3A_561 : i32 to vector<256x256xi32>
    %add3A_563 = arith.addi %bitcast_convert_type3A_559, %add3A_562 : vector<256x256xi32>
    %shift_right_logical3A_564 = arith.constant 16 : i32
    %shift_right_logical3A_565 = vector.broadcast %shift_right_logical3A_564 : i32 to vector<256x256xi32>
    %shift_right_logical3A_566 = arith.shrui %add3A_563, %shift_right_logical3A_565 : vector<256x256xi32>
    %add3A_567 = arith.constant 32768 : i32
    %add3A_568 = vector.broadcast %add3A_567 : i32 to vector<256x256xi32>
    %add3A_569 = arith.addi %bitcast_convert_type3A_560, %add3A_568 : vector<256x256xi32>
    %and3A_570 = arith.constant -65536 : i32
    %and3A_571 = vector.broadcast %and3A_570 : i32 to vector<256x256xi32>
    %and3A_572 = arith.andi %add3A_569, %and3A_571 : vector<256x256xi32>
    %or3A_573 = arith.ori %shift_right_logical3A_566, %and3A_572 : vector<256x256xi32>
    %slice3A_574 = vector.extract_strided_slice %or3A_573 {offsets = [0, 0], sizes = [256, 128], strides = [1, 1]} : vector<256x256xi32> to vector<256x128xi32>
    %swap3A_575 = arith.constant 6656 : index
    %swap3A_576 = arith.constant 0 : index
    %swap3A_577 = vector.load %arg5[%swap3A_575, %swap3A_576] : memref<8192x128xi32, #tpu.memory_space<vmem>>, vector<256x128xi32>
    tpu.vector_store %arg5[%swap3A_575, %swap3A_576], %slice3A_574 {strides = array<i32>} : memref<8192x128xi32, #tpu.memory_space<vmem>>, vector<256x128xi32>,
    %slice3A_578 = vector.extract_strided_slice %or3A_573 {offsets = [0, 128], sizes = [256, 128], strides = [1, 1]} : vector<256x256xi32> to vector<256x128xi32>
    %swap3A_579 = arith.constant 6912 : index
    %swap3A_580 = arith.constant 0 : index
    %swap3A_581 = vector.load %arg5[%swap3A_579, %swap3A_580] : memref<8192x128xi32, #tpu.memory_space<vmem>>, vector<256x128xi32>
    tpu.vector_store %arg5[%swap3A_579, %swap3A_580], %slice3A_578 {strides = array<i32>} : memref<8192x128xi32, #tpu.memory_space<vmem>>, vector<256x128xi32>,
    %mul3A_582 = arith.constant 16 : i32
    %mul3A_583 = arith.muli %arg0, %mul3A_582 : i32
    %add3A_584 = arith.constant 14 : i32
    %add3A_585 = arith.addi %mul3A_583, %add3A_584 : i32
    %eq3A_586 = vector.broadcast %add3A_585 : i32 to vector<1x256xi32>
    %eq3A_587 = arith.cmpi eq, %iota3A, %eq3A_586 : vector<1x256xi32>
    %convert_element_type3A_588 = arith.extui %eq3A_587 : vector<1x256xi1> to vector<1x256xi32>
    %convert_element_type3A_589 = arith.sitofp %convert_element_type3A_588 : vector<1x256xi32> to vector<1x256xf32>
    %mul3A_590 = vector.broadcast %convert_element_type3A_589 : vector<1x256xf32> to vector<96x256xf32>
    %mul3A_591 = arith.mulf %get3A_1, %mul3A_590 : vector<96x256xf32>
    %reduce_sum3A_592 = arith.constant dense<0.000000e+00> : vector<96xf32>
    %reduce_sum3A_593 = vector.multi_reduction <add>, %mul3A_591, %reduce_sum3A_592 [1] : vector<96x256xf32> to vector<96xf32>
    %broadcast_in_dim3A_594 = vector.shape_cast %reduce_sum3A_593 : vector<96xf32> to vector<96x1xf32>
    %mul3A_595 = vector.broadcast %broadcast_in_dim3A_594 : vector<96x1xf32> to vector<96x256xf32>
    %mul3A_596 = arith.mulf %mul3A_595, %get3A_4 : vector<96x256xf32>
    %dot_general3A_597 = arith.constant dense<0.000000e+00> : vector<256x256xf32>
    %dot_general3A_598 = tpu.matmul %mul3A_596, %get3A_7, %dot_general3A_597 {dimension_numbers = #tpu.dot_dimension_numbers<[0], [0], [1], [1], [0, 1, 1, 1], [], []>, transpose_lhs_hint = false} : vector<96x256xf32>, vector<96x256xf32>, vector<256x256xf32> -> vector<256x256xf32>
    %roll3A_599 = arith.constant 255 : i32
    %roll3A_600 = tpu.dynamic_rotate %dot_general3A_598 by %roll3A_599 dim 1 : vector<256x256xf32>, i32 -> vector<256x256xf32>
    %bitcast_convert_type3A_601 = tpu.bitcast %dot_general3A_598 : vector<256x256xf32> -> vector<256x256xi32>
    %bitcast_convert_type3A_602 = tpu.bitcast %roll3A_600 : vector<256x256xf32> -> vector<256x256xi32>
    %add3A_603 = arith.constant 32768 : i32
    %add3A_604 = vector.broadcast %add3A_603 : i32 to vector<256x256xi32>
    %add3A_605 = arith.addi %bitcast_convert_type3A_601, %add3A_604 : vector<256x256xi32>
    %shift_right_logical3A_606 = arith.constant 16 : i32
    %shift_right_logical3A_607 = vector.broadcast %shift_right_logical3A_606 : i32 to vector<256x256xi32>
    %shift_right_logical3A_608 = arith.shrui %add3A_605, %shift_right_logical3A_607 : vector<256x256xi32>
    %add3A_609 = arith.constant 32768 : i32
    %add3A_610 = vector.broadcast %add3A_609 : i32 to vector<256x256xi32>
    %add3A_611 = arith.addi %bitcast_convert_type3A_602, %add3A_610 : vector<256x256xi32>
    %and3A_612 = arith.constant -65536 : i32
    %and3A_613 = vector.broadcast %and3A_612 : i32 to vector<256x256xi32>
    %and3A_614 = arith.andi %add3A_611, %and3A_613 : vector<256x256xi32>
    %or3A_615 = arith.ori %shift_right_logical3A_608, %and3A_614 : vector<256x256xi32>
    %slice3A_616 = vector.extract_strided_slice %or3A_615 {offsets = [0, 0], sizes = [256, 128], strides = [1, 1]} : vector<256x256xi32> to vector<256x128xi32>
    %swap3A_617 = arith.constant 7168 : index
    %swap3A_618 = arith.constant 0 : index
    %swap3A_619 = vector.load %arg5[%swap3A_617, %swap3A_618] : memref<8192x128xi32, #tpu.memory_space<vmem>>, vector<256x128xi32>
    tpu.vector_store %arg5[%swap3A_617, %swap3A_618], %slice3A_616 {strides = array<i32>} : memref<8192x128xi32, #tpu.memory_space<vmem>>, vector<256x128xi32>,
    %slice3A_620 = vector.extract_strided_slice %or3A_615 {offsets = [0, 128], sizes = [256, 128], strides = [1, 1]} : vector<256x256xi32> to vector<256x128xi32>
    %swap3A_621 = arith.constant 7424 : index
    %swap3A_622 = arith.constant 0 : index
    %swap3A_623 = vector.load %arg5[%swap3A_621, %swap3A_622] : memref<8192x128xi32, #tpu.memory_space<vmem>>, vector<256x128xi32>
    tpu.vector_store %arg5[%swap3A_621, %swap3A_622], %slice3A_620 {strides = array<i32>} : memref<8192x128xi32, #tpu.memory_space<vmem>>, vector<256x128xi32>,
    %mul3A_624 = arith.constant 16 : i32
    %mul3A_625 = arith.muli %arg0, %mul3A_624 : i32
    %add3A_626 = arith.constant 15 : i32
    %add3A_627 = arith.addi %mul3A_625, %add3A_626 : i32
    %eq3A_628 = vector.broadcast %add3A_627 : i32 to vector<1x256xi32>
    %eq3A_629 = arith.cmpi eq, %iota3A, %eq3A_628 : vector<1x256xi32>
    %convert_element_type3A_630 = arith.extui %eq3A_629 : vector<1x256xi1> to vector<1x256xi32>
    %convert_element_type3A_631 = arith.sitofp %convert_element_type3A_630 : vector<1x256xi32> to vector<1x256xf32>
    %mul3A_632 = vector.broadcast %convert_element_type3A_631 : vector<1x256xf32> to vector<96x256xf32>
    %mul3A_633 = arith.mulf %get3A_1, %mul3A_632 : vector<96x256xf32>
    %reduce_sum3A_634 = arith.constant dense<0.000000e+00> : vector<96xf32>
    %reduce_sum3A_635 = vector.multi_reduction <add>, %mul3A_633, %reduce_sum3A_634 [1] : vector<96x256xf32> to vector<96xf32>
    %broadcast_in_dim3A_636 = vector.shape_cast %reduce_sum3A_635 : vector<96xf32> to vector<96x1xf32>
    %mul3A_637 = vector.broadcast %broadcast_in_dim3A_636 : vector<96x1xf32> to vector<96x256xf32>
    %mul3A_638 = arith.mulf %mul3A_637, %get3A_4 : vector<96x256xf32>
    %dot_general3A_639 = arith.constant dense<0.000000e+00> : vector<256x256xf32>
    %dot_general3A_640 = tpu.matmul %mul3A_638, %get3A_7, %dot_general3A_639 {dimension_numbers = #tpu.dot_dimension_numbers<[0], [0], [1], [1], [0, 1, 1, 1], [], []>, transpose_lhs_hint = false} : vector<96x256xf32>, vector<96x256xf32>, vector<256x256xf32> -> vector<256x256xf32>
    %roll3A_641 = arith.constant 255 : i32
    %roll3A_642 = tpu.dynamic_rotate %dot_general3A_640 by %roll3A_641 dim 1 : vector<256x256xf32>, i32 -> vector<256x256xf32>
    %bitcast_convert_type3A_643 = tpu.bitcast %dot_general3A_640 : vector<256x256xf32> -> vector<256x256xi32>
    %bitcast_convert_type3A_644 = tpu.bitcast %roll3A_642 : vector<256x256xf32> -> vector<256x256xi32>
    %add3A_645 = arith.constant 32768 : i32
    %add3A_646 = vector.broadcast %add3A_645 : i32 to vector<256x256xi32>
    %add3A_647 = arith.addi %bitcast_convert_type3A_643, %add3A_646 : vector<256x256xi32>
    %shift_right_logical3A_648 = arith.constant 16 : i32
    %shift_right_logical3A_649 = vector.broadcast %shift_right_logical3A_648 : i32 to vector<256x256xi32>
    %shift_right_logical3A_650 = arith.shrui %add3A_647, %shift_right_logical3A_649 : vector<256x256xi32>
    %add3A_651 = arith.constant 32768 : i32
    %add3A_652 = vector.broadcast %add3A_651 : i32 to vector<256x256xi32>
    %add3A_653 = arith.addi %bitcast_convert_type3A_644, %add3A_652 : vector<256x256xi32>
    %and3A_654 = arith.constant -65536 : i32
    %and3A_655 = vector.broadcast %and3A_654 : i32 to vector<256x256xi32>
    %and3A_656 = arith.andi %add3A_653, %and3A_655 : vector<256x256xi32>
    %or3A_657 = arith.ori %shift_right_logical3A_650, %and3A_656 : vector<256x256xi32>
    %slice3A_658 = vector.extract_strided_slice %or3A_657 {offsets = [0, 0], sizes = [256, 128], strides = [1, 1]} : vector<256x256xi32> to vector<256x128xi32>
    %swap3A_659 = arith.constant 7680 : index
    %swap3A_660 = arith.constant 0 : index
    %swap3A_661 = vector.load %arg5[%swap3A_659, %swap3A_660] : memref<8192x128xi32, #tpu.memory_space<vmem>>, vector<256x128xi32>
    tpu.vector_store %arg5[%swap3A_659, %swap3A_660], %slice3A_658 {strides = array<i32>} : memref<8192x128xi32, #tpu.memory_space<vmem>>, vector<256x128xi32>,
    %slice3A_662 = vector.extract_strided_slice %or3A_657 {offsets = [0, 128], sizes = [256, 128], strides = [1, 1]} : vector<256x256xi32> to vector<256x128xi32>
    %swap3A_663 = arith.constant 7936 : index
    %swap3A_664 = arith.constant 0 : index
    %swap3A_665 = vector.load %arg5[%swap3A_663, %swap3A_664] : memref<8192x128xi32, #tpu.memory_space<vmem>>, vector<256x128xi32>
    tpu.vector_store %arg5[%swap3A_663, %swap3A_664], %slice3A_662 {strides = array<i32>} : memref<8192x128xi32, #tpu.memory_space<vmem>>, vector<256x128xi32>,
    return
  }
  func.func @transform_0(%arg0: i32) -> (i32, i32) {
    %c0_i32 = arith.constant 0 : i32
    %c0_i32_0 = arith.constant 0 : i32
    %c0_i32_1 = arith.constant 0 : i32
    return %c0_i32, %c0_i32_0 : i32, i32
  }
  func.func @transform_1(%arg0: i32) -> (i32, i32) {
    %c0_i32 = arith.constant 0 : i32
    %c0_i32_0 = arith.constant 0 : i32
    %c0_i32_1 = arith.constant 0 : i32
    return %c0_i32, %c0_i32_0 : i32, i32
  }
  func.func @transform_2(%arg0: i32) -> (i32, i32) {
    %c0_i32 = arith.constant 0 : i32
    %c0_i32_0 = arith.constant 0 : i32
    %c0_i32_1 = arith.constant 0 : i32
    return %c0_i32, %c0_i32_0 : i32, i32
  }
  func.func @transform_3(%arg0: i32) -> (i32, i32) {
    %c0_i32 = arith.constant 0 : i32
    %c0_i32_0 = arith.constant 0 : i32
    %c0_i32_1 = arith.constant 0 : i32
    return %c0_i32, %c0_i32_0 : i32, i32
  }
  func.func @transform_4(%arg0: i32) -> (i32, i32) {
    %c0_i32 = arith.constant 0 : i32
    %c0_i32_0 = arith.constant 0 : i32
    return %arg0, %c0_i32 : i32, i32
  }
}

</mosaic_0001>

<sc_bundles>
// kernel: kernel.4.cloned.1.call-start
scs
__scs_entry_jumppad:
0x0: {  	(pc) =	sbr.rel $0x88, $3  }
0x1: {  	(tag) =	ssettag $0x0;
	lr =	simm.s32 $0x1  }
0x2: {  	[smem:$0x3F9D] =	sst lr;
	_ =	strace $0xD0000000  }
0x3: {  	_ = 	snop  }
0x4: {  	_ = 	snop  }
0x5: {  	_ = 	snop  }
0x6: {  	_ = 	snop  }
0x7: {  	_ = 	snop  }
__scs_overlays_trampoline_lowered:
0x8: {  	[smem:$0x3FAC] =	sst s0  }
0x9: {  	[smem:$0x3FAD] =	sst s1  }
0xa: {  	[smem:$0x3FAE] =	sst s2  }
0xb: {  	[smem:$0x3FAF] =	sst s3  }
0xc: {  	[smem:$0x3FB0] =	sst s4  }
0xd: {  	[smem:$0x3FB1] =	sst s5  }
0xe: {  	[smem:$0x3FB2] =	sst s6  }
0xf: {  	[smem:$0x3FB3] =	sst s7  }
0x10: {  	[smem:$0x3FB4] =	sst s8  }
0x11: {  	[smem:$0x3FB5] =	sst s9;
	s0 =	simm.s32 @!p0 $0x0  }
0x12: {  	s1 =	sld [smem:$0x3F9B];
	s0 =	simm.s32 @p0 $0x1  }
0x13: {  	[smem:$0x3FB6] =	sst s0;
	s0 =	simm.s32 @!p1 $0x0  }
0x14: {  	s2 =	sld [smem:$0x3F9A];
	s0 =	simm.s32 @p1 $0x1  }
0x15: {  	[smem:$0x3FB7] =	sst s0;
	s0 =	simm.s32 @!p2 $0x0  }
0x16: {  	s3 =	sld [smem:$0x3FDB];
	s0 =	simm.s32 @p2 $0x1  }
0x17: {  	s4 =	simm.s32 $0x1BF5;
	[smem:$0x3FB9] =	sst s0  }
0x18: {  	s0 =	sld [smem:$0x3F9C];
	_ =	swait.ge [sflag:s4], $0x0  }
0x19: {  	s7 =	sld [smem:$0x3F9D]  }
0x1a: {  	s8 =	sadd.s32 $0xFFFFE003, lr  }
0x1b: {  	s9 =	sadd.s32 $0xFFFFFEF7, lr;
	s5 =	simm.s32 $0xFFFFFFFF;
	p2 =	slt.u32 s8, $0xFFFFF086  }
0x1c: {  	p1 =	slt.u32 s9, $0xF7A;
	s5 =	simm.s32 @!p2 $0x0  }
0x1d: {  	s5 =	simm.s32 @p1 $0x1;
	p0 =	seq.s32 s7, s2  }
0x1e: {  	s7 =	smul.u32 @!p0 $0xF7A, s2;
	p2 =	seq.s32 @!p0 s5, $0x0  }
0x1f: {  	s9 =	smul.u32 $0xF7A, s1;
	s8 =	simm.s32 @!p0 $0x1BF5;
	p2 =	por !p2, p0  }
0x20: {  	[sflag:s8] =	ssyncset.s32 @!p0 $0xFFFFF086;
	s6 =	sadd.s32 @!p0 s3, s7;
	s7 =	simm.s32 @!p0 $0x108  }
0x21: {  	s3 =	sadd.s32 s3, s9;
	s6 =	sadd.s32 @!p0 $0x88, s6;
	s7 =	simm.s32 @p2 $0x1082  }
0x22: {  	[simem:s7], [sflag:s8] =	dma.local @!p0 [hbm:s6], $0xF7A  }
0x23: {  	s9 =	sor.u32 $0xD0000000, s2;
	s6 =	simm.s32 $0x108;
	_ =	swait.ge @!p0 [sflag:s8], $0x0  }
0x24: {  	s3 =	sadd.s32 $0x88, s3;
	s6 =	simm.s32 @!p1 $0x1082;
	[sflag:s4] =	ssyncset.s32 $0xFFFFF086  }
0x25: {  	[simem:s6], [sflag:s4] =	dma.local [hbm:s3], $0xF7A  }
0x26: {  	[smem:$0x3F9D] =	sst s1;
	(tag) =	ssettag s2;
	_ =	strace s9  }
0x27: {  	s1 =	sld [smem:$0x3FAD]  }
0x28: {  	s2 =	sld [smem:$0x3FAE]  }
0x29: {  	s4 =	sld [smem:$0x3FB0]  }
0x2a: {  	p0 =	seq.s32 s5, $0x0;
	s5 =	sld [smem:$0x3FB1]  }
0x2b: {  	s6 =	sld [smem:$0x3FB2]  }
0x2c: {  	s7 =	sld [smem:$0x3FB3]  }
0x2d: {  	s3 =	simm.s32 $0x108;
	s8 =	sld [smem:$0x3FB4]  }
0x2e: {  	s3 =	simm.s32 @!p0 $0x1082;
	s9 =	sld [smem:$0x3FB5]  }
0x2f: {  	lr =	sadd.s32 s0, s3;
	s0 =	sld [smem:$0x3FAC]  }
0x30: {  	s3 =	sld [smem:$0x3FAF]  }
0x31: {  	[smem:$0x3FB8] =	sst s10  }
0x32: {  	s10 =	sld [smem:$0x3FB6];
	_ =	sdelay $0x3  }
0x33: {  	p0 =	seq.s32 s10, $0x1;
	s10 =	sld [smem:$0x3FB8];
	_ =	sdelay $0x3  }
0x34: {  	[smem:$0x3FB8] =	sst s10  }
0x35: {  	s10 =	sld [smem:$0x3FB7];
	_ =	sdelay $0x3  }
0x36: {  	p1 =	seq.s32 s10, $0x1;
	s10 =	sld [smem:$0x3FB8];
	_ =	sdelay $0x3  }
0x37: {  	[smem:$0x3FB8] =	sst s10  }
0x38: {  	s10 =	sld [smem:$0x3FB9]  }
0x39: {  	_ = 	snop;
	(pc) =	sbr.ind lr, $3  }
0x3a: {  	_ = 	snop  }
0x3b: {  	_ = 	snop  }
0x3c: {  	p2 =	seq.s32 s10, $0x1;
	s10 =	sld [smem:$0x3FB8]  }
0x3d: {  	_ =	shalt  }
0x3e: {  	_ =	shalt  }
0x3f: {  	_ =	shalt  }
0x40: {  	_ =	shalt  }
0x41: {  	_ =	shalt  }
0x42: {  	_ =	shalt  }
0x43: {  	_ =	shalt  }
0x44: {  	_ =	shalt  }
0x45: {  	_ =	shalt  }
0x46: {  	_ =	shalt  }
0x47: {  	_ =	shalt  }
0x48: {  	_ =	shalt  }
0x49: {  	_ =	shalt  }
0x4a: {  	_ =	shalt  }
0x4b: {  	_ =	shalt  }
0x4c: {  	_ =	shalt  }
0x4d: {  	_ =	shalt  }
0x4e: {  	_ =	shalt  }
0x4f: {  	_ =	shalt  }
0x50: {  	_ =	shalt  }
0x51: {  	_ =	shalt  }
0x52: {  	_ =	shalt  }
0x53: {  	_ =	shalt  }
0x54: {  	_ =	shalt  }
0x55: {  	_ =	shalt  }
0x56: {  	_ =	shalt  }
0x57: {  	_ =	shalt  }
0x58: {  	_ =	shalt  }
0x59: {  	_ =	shalt  }
0x5a: {  	_ =	shalt  }
0x5b: {  	_ =	shalt  }
0x5c: {  	_ =	shalt  }
0x5d: {  	_ =	shalt  }
0x5e: {  	_ =	shalt  }
0x5f: {  	_ =	shalt  }
0x60: {  	_ =	shalt  }
0x61: {  	_ =	shalt  }
0x62: {  	_ =	shalt  }
0x63: {  	_ =	shalt  }
0x64: {  	_ =	shalt  }
0x65: {  	_ =	shalt  }
0x66: {  	_ =	shalt  }
0x67: {  	_ =	shalt  }
0x68: {  	_ =	shalt  }
0x69: {  	_ =	shalt  }
0x6a: {  	_ =	shalt  }
0x6b: {  	_ =	shalt  }
0x6c: {  	_ =	shalt  }
0x6d: {  	_ =	shalt  }
0x6e: {  	_ =	shalt  }
0x6f: {  	_ =	shalt  }
0x70: {  	_ =	shalt  }
0x71: {  	_ =	shalt  }
0x72: {  	_ =	shalt  }
0x73: {  	_ =	shalt  }
0x74: {  	_ =	shalt  }
0x75: {  	_ =	shalt  }
0x76: {  	_ =	shalt  }
0x77: {  	_ =	shalt  }
0x78: {  	_ =	shalt  }
0x79: {  	_ =	shalt  }
0x7a: {  	_ =	shalt  }
0x7b: {  	_ =	shalt  }
0x7c: {  	_ =	shalt  }
0x7d: {  	_ =	shalt  }
0x7e: {  	_ =	shalt  }
0x7f: {  	_ =	shalt  }
0x80: {  	_ =	shalt  }
0x81: {  	_ =	shalt  }
0x82: {  	_ =	shalt  }
0x83: {  	_ =	shalt  }
0x84: {  	_ =	shalt  }
0x85: {  	_ =	shalt  }
0x86: {  	_ =	shalt  }
0x87: {  	_ =	shalt  }
.Lfunc_end0:
.L_simem_size_0:
called_computation_lowered:
.L_overlay_start_0:
0x88: {  	s2 =	sld [smem:$0x3FD9]  }
0x89: {  	s3 =	sld [smem:$0x3FFE];
	_ =	sdelay $0x1  }
0x8a: {  	s1 =	srdreg.scid  }
0x8b: {  	s0 =	sand.u32 $0x1, s1  }
0x8c: {  	s17 =	sshll.u32 s0, $0xA;
	s2 =	sadd.s32 s3, s2  }
0x8d: {  	s2 =	sadd.s32 s2, s17  }
0x8e: {  	[smem:$0x3FC4] =	sst s2  }
0x8f: {  	_ = 	snop  }
0x90: {  	s2 =	sld [smem:$0x3FD0];
	(tm) =	ssettm $0x1  }
0x91: {  	s18 =	sld [smem:$0x3FFB];
	_ =	sdelay $0x3  }
0x92: {  	_ =	strace s18  }
0x93: {  	s3 =	sld [smem:$0x3FFC];
	_ =	sdelay $0x3  }
0x94: {  	_ =	strace s3  }
0x95: {  	s3 =	sld [smem:$0x3FFD];
	_ =	sdelay $0x3  }
0x96: {  	_ =	strace s3  }
0x97: {  	_ =	strace $0x8FFFFFFF  }
0x98: {  	s19 =	sld [smem:$0x3FDB];
	_ =	sdelay $0x1  }
0x99: {  	s4 =	simm.s32 $_scs_section_size  }
0x9a: {  	s5 =	simm.s32 $_size__tile_overlayer_lowered;
	s6 =	simm.s32 $_tile_overlayer_lowered  }
0x9b: {  	s22 =	simm.s32 $0x1BFF;
	s21 =	sshll.u32 s6, $0x1;
	s3 =	sadd.s32 s4, s19  }
0x9c: {  	s7 =	simm.s32 $0x0;
	s20 =	sshll.u32 s5, $0x1;
	s5 =	sadd.s32 s21, s3  }
0x9d: {  	[timem:s7], [sflag:s22] =	dma.local [hbm:s5], s20  }
0x9e: {  	_ =	swait.ge [sflag:s22], s20  }
0x9f: {  	s4 =	ssub.s32 $0x0, s20;
	[sflag:s22] =	ssyncset.done $0x0  }
0xa0: {  	[sflag:s22] =	ssyncadd.s32 s4;
	_ =	sdelay $0x1  }
0xa1: {  	s23 =	simm.s32 $0x1B8B  }
0xa2: {  	_ =	swait.ge [sflag:s23], $0x1  }
0xa3: {  	[sflag:s23] =	ssyncset.done $0x0  }
0xa4: {  	s25 =	simm.s32 $0x1B8E;
	s24 =	sld [smem:$0x3FFE];
	[sflag:s23] =	ssyncadd.s32 $0xFFFFFFFF  }
0xa5: {  	s26 =	simm.s32 $execute0_lowered;
	[smem:$0x3FD2] =	sst s25  }
0xa6: {  	s5 =	sshll.u32 s26, $0x1;
	_ =	strace $0x80000046;
	[dreg:$0x1] =	wrdreg $0xFFFFFFFF  }
0xa7: {  	s28 =	simm.s32 $_size_execute0_lowered;
	s3 =	sadd.s32 s3, s5;
	[dreg:$0x0] =	wrdreg $0x0  }
0xa8: {  	s5 =	sshll.u32 s28, $0x1;
	[dreg:$0x2] =	wrdreg s3  }
0xa9: {  	[dreg:$0x3] =	wrdreg s5  }
0xaa: {  	[dreg:$0x4] =	wrdreg $0xC0  }
0xab: {  	_ =	task [dreg:s7], $0x5FFFF  }
0xac: {  	[dreg:$0x1] =	wrdreg $0xFFFFFFFF  }
0xad: {  	[dreg:$0x0] =	wrdreg $0x60  }
0xae: {  	[dreg:$0x2] =	wrdreg s24  }
0xaf: {  	[dreg:$0x3] =	wrdreg s2  }
0xb0: {  	[dreg:$0x4] =	wrdreg $0x9  }
0xb1: {  	_ =	task.clear_ibuf [dreg:s7], $0x5FFFF;
	_ =	strace $0x90000046  }
0xb2: {  	s29 =	simm.s32 $0x9;
	_ =	strace $0x80000048  }
0xb3: {  	_ =	swait.ge [sflag:s29], $0x1  }
0xb4: {  	[sflag:s29] =	ssyncadd.s32 $0xFFFFFFFF  }
0xb5: {  	_ =	strace $0x90000048  }
0xb6: {  	_ =	sfence  }
0xb7: {  	s30 =	sld [smem:$0x0];
	_ =	sdelay $0x2  }
0xb8: {  	s31 =	sshll.u32 s1, $0xD;
	s1 =	sshrl.u32 s1, $0x2  }
0xb9: {  	s3 =	sand.u32 $0x4000, s31;
	s1 =	sadd.s32 s1, s30  }
0xba: {  	s0 =	sor.u32 s3, s0;
	s1 =	sshll.u32 s1, $0x11  }
0xbb: {  	s0 =	sor.u32 s1, s0  }
0xbc: {  	s0 =	sadd.s32 $0x8F2B, s0  }
0xbd: {  	[sflag:s0] =	ssyncadd.remote.s32 $0x1  }
0xbe: {  	_ =	sfence.sel $0xFFFF  }
0xbf: {  	[dreg:$0x0] =	wrdreg $0xFFFFFFFF;
	(pc) =	sbr.abs _section_cstart, $3  }
0xc0: {  	[dreg:$0x1] =	wrdreg $0xFFFFFFFF  }
0xc1: {  	_ =	task.clear_ibuf [dreg:s7], $0x2FFFF;
	_ =	strace $0x9FFFFFFF  }
0xc2: {  	(tm) =	ssettm $0x7FFFFFFF  }
0xc3: {  	_ =	shalt  }
tec
execute0_lowered:
.L_overlay_start_1:
0x0: {  	(tag) =	ssettag $0x1  }
0x1: {  	s0 =	rddreg [dreg:$0x0]  }
0x2: {  	s1 =	rddreg [dreg:$0x1];
	s2 =	simm.s32 $0x0;
	s3 =	srdreg.scid  }
0x3: {  	s7 =	stileid.u32;
	s11 =	simm.s32 $0x2000;
	s12 =	simm.s32 $0x3000  }
0x4: {  	s13 =	simm.s32 $0x5000;
	s14 =	simm.s32 $0xA800;
	s15 =	simm.s32 $0xC800  }
0x5: {  	s16 =	simm.s32 $0x1;
	s17 =	simm.s32 $0x7000;
	s18 =	simm.s32 $0x2  }
0x6: {  	s19 =	simm.s32 $0xE800;
	s20 =	simm.s32 $0x0;
	s3 =	sand.u32 $0x1, s3  }
0x7: {  	[smem:$0x7FF] =	sst s2;
	s4 =	sadd.s32 $0x20C00, s0;
	s8 =	ssub.s32 $0x2, s3  }
0x8: {  	s5 =	sadd.s32 $0x10C00, s0;
	s6 =	sadd.s32 $0xC00, s0;
	s9 =	sshrl.u32 s8, $0x1  }
0x9: {  	s10 =	sshll.u32 s7, $0xF;
	s7 =	sadd.s32 $0x230C00, s0;
	s31 =	ssub.s32 s8, s9  }
0xa: {  	_ =	strace $0x80000047;
	s3 =	sshll.u32 s3, $0xE;
	s0 =	smax.u32 s31, $0x1  }
0xb: {  	s8 =	sor.u32 s3, s10;
	s10 =	simm.s32 $0x3;
	[dreg:$0x3] =	wrdreg s0  }
.LBB2_1:
0xc: {  	s21 =	simm.s32 $0x0  }
.LBB2_2:
0xd: {  	s0 =	sshll.u32 s21, $0xC  }
0xe: {  	s0 =	sor.u32 s8, s0  }
0xf: {  	s23 =	sshrl.u32 s0, $0x3  }
0x10: {  	s22 =	simm.s32 $0x0;
	s0 =	sadd.s32 s4, s23  }
0x11: {  	[tilespmem:s22], [sflag:$0x3] =	stream.linear.gather [hbm4b:s0+s22], $0x800, $0x38;
	[tilespmem:$0xF000] =	vst v63  }
0x12: {  	_ =	swait.ge [sflag:s10], $0x800  }
0x13: {  	[sflag:s10] =	ssyncset.done $0x0  }
0x14: {  	s24 =	simm.s32 $0x800;
	s3 =	sadd.s32 s5, s23;
	[sflag:s10] =	ssyncadd.s32 $0xFFFFF800  }
0x15: {  	[tilespmem:s24], [sflag:$0x3] =	stream.linear.gather [hbm4b:s3+s22], $0x800, $0x38;
	[tilespmem:$0xF000] =	vst v63  }
0x16: {  	_ =	swait.ge [sflag:s10], $0x800  }
0x17: {  	[sflag:s10] =	ssyncset.done $0x0  }
0x18: {  	s25 =	simm.s32 $0x1000;
	s9 =	sadd.s32 s6, s23;
	[sflag:s10] =	ssyncadd.s32 $0xFFFFF800  }
0x19: {  	[tilespmem:s25], [sflag:$0x3] =	stream.linear.gather [hbm4b:s9+s22], $0x800, $0x38;
	[tilespmem:$0xF000] =	vst v63  }
0x1a: {  	_ =	swait.ge [sflag:s10], $0x800  }
0x1b: {  	[sflag:s10] =	ssyncset.done $0x0  }
0x1c: {  	[sflag:s10] =	ssyncadd.s32 $0xFFFFF800  }
0x1d: {  	v0 =	vld [tilespmem:s22+$0x0]  }
0x1e: {  	v1 =	vld [tilespmem:s24+$0x0]  }
0x1f: {  	v2 =	vld [tilespmem:s25+$0x0];
	_ =	sdelay $0x2  }
0x20: {  	v0 =	vadd.f32 $1.000000000e+00, v0  }
0x21: {  	v1 =	vadd.f32 $1.000000000e+00, v1  }
0x22: {  	v2 =	vadd.f32 $1.000000000e+00, v2;
	v0 =	vmul.f32 $1.275000000e+02, v0  }
0x23: {  	v1 =	vmul.f32 $1.275000000e+02, v1  }
0x24: {  	v2 =	vmul.f32 $1.275000000e+02, v2;
	v3 =	vtrunc.f32 v0  }
0x25: {  	v4 =	vtrunc.f32 v1;
	v3 =	vcvt.f32.s32 v3  }
0x26: {  	v5 =	vtrunc.f32 v2;
	v4 =	vcvt.f32.s32 v4  }
0x27: {  	v5 =	vcvt.f32.s32 v5;
	vm0 =	vgt.s32 v3, $0x0  }
0x28: {  	vm14 =	vgt.s32 v4, $0x0;
	v3 =	vnsel vm0, $0x0, v3  }
0x29: {  	vm15 =	vgt.s32 v5, $0x0;
	v4 =	vnsel vm14, $0x0, v4;
	v3 =	vmin.u32 v3, $0xFE  }
0x2a: {  	v5 =	vnsel vm15, $0x0, v5;
	v4 =	vmin.u32 v4, $0xFE;
	v6 =	vcvt.s32.f32 v3  }
0x2b: {  	v5 =	vmin.u32 v5, $0xFE;
	v7 =	vcvt.s32.f32 v4  }
0x2c: {  	v8 =	vshll.u32 v3, $0x8;
	v62 =	vcvt.s32.f32 v5;
	v0 =	vsub.f32 v0, v6  }
0x2d: {  	s26 =	simm.s32 $0x1800;
	v5 =	vshll.u32 v5, $0x10;
	v63 =	vand.u32 $0x8000, v8;
	v1 =	vsub.f32 v1, v7  }
0x2e: {  	s3 =	simm.s32 $0x2000;
	v4 =	vshll.u32 v4, $0x7;
	v2 =	vsub.f32 v2, v62;
	[tilespmem:s26+$0x0] =	vst v0;
	v0 =	vor.u32 v63, v5  }
0x2f: {  	s28 =	simm.s32 $0x2810;
	s0 =	simm.s32 $0x2800;
	[tilespmem:s3+$0x0] =	vst v1;
	v0 =	vor.u32 v4, v0;
	v1 =	vand.u32 $0x7F, v3  }
0x30: {  	s29 =	simm.s32 $0x3010;
	s30 =	simm.s32 $0x1810;
	s9 =	simm.s32 $0x3000;
	[tilespmem:s0+$0x0] =	vst v2;
	v2 =	vor.u32 v1, v0  }
0x31: {  	s31 =	simm.s32 $0x2010;
	s26 =	simm.s32 $0x10;
	s3 =	sand.u32 $0x7F0, s22;
	[tilespmem:s9+$0x0] =	vst v2;
	v0 =	vadd.s32 $0x80, v2;
	v1 =	vadd.s32 $0x10000, v2;
	v2 =	vadd.s32 $0x10080, v2  }
.LBB2_3:
0x32: {  	[tilespmem:s3+$0x4800] =	vst v2;
	s22 =	sadd.s32 $0x10, s22;
	s24 =	sadd.s32 $0x10, s24;
	s25 =	sadd.s32 $0x10, s25  }
0x33: {  	p0 =	sne.s32 s26, $0x7F0;
	s0 =	smov.u32 s26;
	s26 =	sadd.s32 $0x10, s26;
	[tilespmem:s3+$0x4000] =	vst v1  }
0x34: {  	[tilespmem:s3+$0x3800] =	vst v0;
	s3 =	smov.u32 s29  }
0x35: {  	v0 =	vld [tilespmem:s22+$0x0]  }
0x36: {  	v1 =	vld [tilespmem:s24+$0x0]  }
0x37: {  	v2 =	vld [tilespmem:s25+$0x0];
	_ =	sdelay $0x2  }
0x38: {  	v0 =	vadd.f32 $1.000000000e+00, v0  }
0x39: {  	v1 =	vadd.f32 $1.000000000e+00, v1  }
0x3a: {  	v0 =	vmul.f32 $1.275000000e+02, v0;
	v2 =	vadd.f32 $1.000000000e+00, v2  }
0x3b: {  	v1 =	vmul.f32 $1.275000000e+02, v1  }
0x3c: {  	v3 =	vtrunc.f32 v0;
	v2 =	vmul.f32 $1.275000000e+02, v2  }
0x3d: {  	v3 =	vcvt.f32.s32 v3;
	v4 =	vtrunc.f32 v1  }
0x3e: {  	v4 =	vcvt.f32.s32 v4;
	v5 =	vtrunc.f32 v2  }
0x3f: {  	vm0 =	vgt.s32 v3, $0x0;
	v5 =	vcvt.f32.s32 v5  }
0x40: {  	v3 =	vnsel vm0, $0x0, v3;
	vm0 =	vgt.s32 v4, $0x0  }
0x41: {  	v3 =	vmin.u32 v3, $0xFE;
	v4 =	vnsel vm0, $0x0, v4;
	vm0 =	vgt.s32 v5, $0x0  }
0x42: {  	v6 =	vcvt.s32.f32 v3;
	v4 =	vmin.u32 v4, $0xFE;
	v5 =	vnsel vm0, $0x0, v5  }
0x43: {  	v8 =	vshll.u32 v3, $0x8;
	v7 =	vcvt.s32.f32 v4;
	v5 =	vmin.u32 v5, $0xFE  }
0x44: {  	v0 =	vsub.f32 v0, v6;
	v6 =	vcvt.s32.f32 v5;
	v5 =	vshll.u32 v5, $0x10  }
.Ltmp0:
0x45: {  	v1 =	vsub.f32 v1, v7;
	v7 =	vand.u32 $0x8000, v8;
	(pc) =	sbr.rel @p0 .LBB2_3-.Ltmp0, $4  }
0x46: {  	v4 =	vshll.u32 v4, $0x7;
	v2 =	vsub.f32 v2, v6;
	[tilespmem:s30+$0x0] =	vst v0;
	v0 =	vor.u32 v7, v5  }
0x47: {  	[tilespmem:s31+$0x0] =	vst v1;
	v0 =	vor.u32 v4, v0;
	v1 =	vand.u32 $0x7F, v3  }
0x48: {  	s29 =	sadd.s32 $0x10, s29;
	[tilespmem:s28+$0x0] =	vst v2;
	v2 =	vor.u32 v1, v0;
	s28 =	sadd.s32 $0x10, s28  }
0x49: {  	s30 =	sadd.s32 $0x10, s30;
	s31 =	sadd.s32 $0x10, s31;
	[tilespmem:s3+$0x0] =	vst v2;
	v0 =	vadd.s32 $0x80, v2;
	s3 =	sand.u32 $0x7F0, s0;
	v1 =	vadd.s32 $0x10000, v2;
	v2 =	vadd.s32 $0x10080, v2  }
0x4a: {  	[tilespmem:s3+$0x4800] =	vst v2  }
0x4b: {  	[tilespmem:s3+$0x4000] =	vst v1  }
0x4c: {  	[tilespmem:s3+$0x3800] =	vst v0;
	s22 =	sor.u32 $0x100, s23  }
0x4d: {  	[tilespmem:s13], [sflag:$0x1] =	stream.indirect.gather [hbm4b:s7+s11], $0x1, s12, s11, $0xb8;
	[tilespmem:$0xF000] =	vst v63  }
0x4e: {  	s0 =	simm.s32 $0x0;
	s24 =	simm.s32 $0x7800;
	s25 =	sadd.s32 s4, s22  }
0x4f: {  	[tilespmem:s24], [sflag:$0x3] =	stream.linear.gather [hbm4b:s25+s0], $0x800, $0x38;
	[tilespmem:$0xF000] =	vst v63  }
0x50: {  	_ =	swait.ge [sflag:s10], $0x800  }
0x51: {  	[sflag:s10] =	ssyncset.done $0x0  }
0x52: {  	s26 =	sadd.s32 s5, s22;
	s25 =	simm.s32 $0x8000;
	[sflag:s10] =	ssyncadd.s32 $0xFFFFF800  }
0x53: {  	[tilespmem:s25], [sflag:$0x3] =	stream.linear.gather [hbm4b:s26+s0], $0x800, $0x38;
	[tilespmem:$0xF000] =	vst v63  }
0x54: {  	_ =	swait.ge [sflag:s10], $0x800  }
0x55: {  	[sflag:s10] =	ssyncset.done $0x0  }
0x56: {  	s9 =	sadd.s32 s6, s22;
	s26 =	simm.s32 $0x8800;
	[sflag:s10] =	ssyncadd.s32 $0xFFFFF800  }
0x57: {  	[tilespmem:s26], [sflag:$0x3] =	stream.linear.gather [hbm4b:s9+s0], $0x800, $0x38;
	[tilespmem:$0xF000] =	vst v63  }
0x58: {  	_ =	swait.ge [sflag:s10], $0x800  }
0x59: {  	[sflag:s10] =	ssyncset.done $0x0  }
0x5a: {  	[sflag:s10] =	ssyncadd.s32 $0xFFFFF800  }
0x5b: {  	v0 =	vld [tilespmem:s24+$0x0]  }
0x5c: {  	v1 =	vld [tilespmem:s25+$0x0]  }
0x5d: {  	v2 =	vld [tilespmem:s26+$0x0];
	_ =	sdelay $0x2  }
0x5e: {  	v0 =	vadd.f32 $1.000000000e+00, v0  }
0x5f: {  	v1 =	vadd.f32 $1.000000000e+00, v1  }
0x60: {  	v2 =	vadd.f32 $1.000000000e+00, v2;
	v0 =	vmul.f32 $1.275000000e+02, v0  }
0x61: {  	v1 =	vmul.f32 $1.275000000e+02, v1  }
0x62: {  	v2 =	vmul.f32 $1.275000000e+02, v2;
	v3 =	vtrunc.f32 v0  }
0x63: {  	v4 =	vtrunc.f32 v1;
	v3 =	vcvt.f32.s32 v3  }
0x64: {  	v5 =	vtrunc.f32 v2;
	v4 =	vcvt.f32.s32 v4  }
0x65: {  	v5 =	vcvt.f32.s32 v5;
	vm0 =	vgt.s32 v3, $0x0  }
0x66: {  	vm14 =	vgt.s32 v4, $0x0;
	v3 =	vnsel vm0, $0x0, v3  }
0x67: {  	vm15 =	vgt.s32 v5, $0x0;
	v4 =	vnsel vm14, $0x0, v4;
	v3 =	vmin.u32 v3, $0xFE  }
0x68: {  	v5 =	vnsel vm15, $0x0, v5;
	v4 =	vmin.u32 v4, $0xFE;
	v6 =	vcvt.s32.f32 v3  }
0x69: {  	v5 =	vmin.u32 v5, $0xFE;
	v7 =	vcvt.s32.f32 v4  }
0x6a: {  	v8 =	vshll.u32 v3, $0x8;
	v62 =	vcvt.s32.f32 v5;
	v0 =	vsub.f32 v0, v6  }
0x6b: {  	s3 =	simm.s32 $0x9000;
	v5 =	vshll.u32 v5, $0x10;
	v63 =	vand.u32 $0x8000, v8;
	v1 =	vsub.f32 v1, v7  }
0x6c: {  	s9 =	simm.s32 $0x9800;
	v4 =	vshll.u32 v4, $0x7;
	v2 =	vsub.f32 v2, v62;
	[tilespmem:s3+$0x0] =	vst v0;
	v0 =	vor.u32 v63, v5  }
0x6d: {  	s31 =	simm.s32 $0xA800;
	s3 =	simm.s32 $0xA000;
	[tilespmem:s9+$0x0] =	vst v1;
	v0 =	vor.u32 v4, v0;
	v1 =	vand.u32 $0x7F, v3  }
0x6e: {  	s28 =	simm.s32 $0x10;
	s29 =	simm.s32 $0xA010;
	s30 =	simm.s32 $0xA810;
	[tilespmem:s3+$0x0] =	vst v2;
	v2 =	vor.u32 v1, v0  }
0x6f: {  	s9 =	sand.u32 $0x7F0, s0;
	s0 =	simm.s32 $0x9810;
	[tilespmem:s31+$0x0] =	vst v2;
	v0 =	vadd.s32 $0x80, v2;
	v1 =	vadd.s32 $0x10000, v2;
	v2 =	vadd.s32 $0x10080, v2;
	s31 =	simm.s32 $0x9010  }
.LBB2_5:
0x70: {  	[tilespmem:s9+$0xC000] =	vst v2;
	s24 =	sadd.s32 $0x10, s24;
	s25 =	sadd.s32 $0x10, s25;
	s26 =	sadd.s32 $0x10, s26  }
0x71: {  	p0 =	sne.s32 s28, $0x7F0;
	s3 =	smov.u32 s28;
	s28 =	sadd.s32 $0x10, s28;
	[tilespmem:s9+$0xB800] =	vst v1  }
0x72: {  	[tilespmem:s9+$0xB000] =	vst v0;
	s9 =	smov.u32 s30  }
0x73: {  	v0 =	vld [tilespmem:s24+$0x0]  }
0x74: {  	v1 =	vld [tilespmem:s25+$0x0]  }
0x75: {  	v2 =	vld [tilespmem:s26+$0x0];
	_ =	sdelay $0x2  }
0x76: {  	v0 =	vadd.f32 $1.000000000e+00, v0  }
0x77: {  	v1 =	vadd.f32 $1.000000000e+00, v1  }
0x78: {  	v0 =	vmul.f32 $1.275000000e+02, v0;
	v2 =	vadd.f32 $1.000000000e+00, v2  }
0x79: {  	v1 =	vmul.f32 $1.275000000e+02, v1  }
0x7a: {  	v3 =	vtrunc.f32 v0;
	v2 =	vmul.f32 $1.275000000e+02, v2  }
0x7b: {  	v3 =	vcvt.f32.s32 v3;
	v4 =	vtrunc.f32 v1  }
0x7c: {  	v4 =	vcvt.f32.s32 v4;
	v5 =	vtrunc.f32 v2  }
0x7d: {  	vm0 =	vgt.s32 v3, $0x0;
	v5 =	vcvt.f32.s32 v5  }
0x7e: {  	v3 =	vnsel vm0, $0x0, v3;
	vm0 =	vgt.s32 v4, $0x0  }
0x7f: {  	v3 =	vmin.u32 v3, $0xFE;
	v4 =	vnsel vm0, $0x0, v4;
	vm0 =	vgt.s32 v5, $0x0  }
0x80: {  	v6 =	vcvt.s32.f32 v3;
	v4 =	vmin.u32 v4, $0xFE;
	v5 =	vnsel vm0, $0x0, v5  }
0x81: {  	v8 =	vshll.u32 v3, $0x8;
	v7 =	vcvt.s32.f32 v4;
	v5 =	vmin.u32 v5, $0xFE  }
0x82: {  	v0 =	vsub.f32 v0, v6;
	v6 =	vcvt.s32.f32 v5;
	v5 =	vshll.u32 v5, $0x10  }
.Ltmp1:
0x83: {  	v1 =	vsub.f32 v1, v7;
	v7 =	vand.u32 $0x8000, v8;
	(pc) =	sbr.rel @p0 .LBB2_5-.Ltmp1, $4  }
0x84: {  	v4 =	vshll.u32 v4, $0x7;
	v2 =	vsub.f32 v2, v6;
	[tilespmem:s31+$0x0] =	vst v0;
	v0 =	vor.u32 v7, v5  }
0x85: {  	[tilespmem:s0+$0x0] =	vst v1;
	v0 =	vor.u32 v4, v0;
	v1 =	vand.u32 $0x7F, v3  }
0x86: {  	s30 =	sadd.s32 $0x10, s30;
	[tilespmem:s29+$0x0] =	vst v2;
	v2 =	vor.u32 v1, v0;
	s29 =	sadd.s32 $0x10, s29  }
0x87: {  	s31 =	sadd.s32 $0x10, s31;
	s0 =	sadd.s32 $0x10, s0;
	[tilespmem:s9+$0x0] =	vst v2;
	v0 =	vadd.s32 $0x80, v2;
	s9 =	sand.u32 $0x7F0, s3;
	v1 =	vadd.s32 $0x10000, v2;
	v2 =	vadd.s32 $0x10080, v2  }
0x88: {  	[tilespmem:s9+$0xC000] =	vst v2  }
0x89: {  	[tilespmem:s9+$0xB800] =	vst v1  }
0x8a: {  	[tilespmem:s9+$0xB000] =	vst v0;
	s24 =	simm.s32 $0x2000  }
0x8b: {  	[tilespmem:s15], [sflag:$0x2] =	stream.indirect.gather [hbm4b:s7+s24], $0x1, s14, s24, $0xb8;
	[tilespmem:$0xF000] =	vst v63  }
0x8c: {  	_ =	swait.ge [sflag:s16], $0x2000  }
0x8d: {  	[sflag:s16] =	ssyncset.done $0x0  }
0x8e: {  	s0 =	simm.s32 $0x0;
	s3 =	simm.s32 $0x5000;
	[sflag:s16] =	ssyncadd.s32 $0xFFFFE000  }
0x8f: {  	s0 =	sand.u32 $0x7F0, s0;
	v0 =	vld [tilespmem:s3+$0x0]  }
0x90: {  	v1 =	vld [tilespmem:s0+$0x5800]  }
0x91: {  	v2 =	vld [tilespmem:s0+$0x6000]  }
0x92: {  	v3 =	vld [tilespmem:s0+$0x6800];
	_ =	sdelay $0x1  }
0x93: {  	s28 =	simm.s32 $0x1800  }
0x94: {  	v4 =	vld [tilespmem:s28+$0x0];
	v5 =	vshll.u32 v0, $0x10  }
0x95: {  	v0 =	vand.u32 $0xFFFF0000, v0;
	v6 =	vshll.u32 v1, $0x10;
	v1 =	vand.u32 $0xFFFF0000, v1  }
0x96: {  	v7 =	vshll.u32 v2, $0x10;
	v2 =	vand.u32 $0xFFFF0000, v2;
	v8 =	vshll.u32 v3, $0x10  }
0x97: {  	v3 =	vand.u32 $0xFFFF0000, v3;
	v0 =	vsub.f32 v0, v5;
	v1 =	vsub.f32 v1, v6  }
0x98: {  	v2 =	vsub.f32 v2, v7;
	v3 =	vsub.f32 v3, v8  }
0x99: {  	v0 =	vmul.f32 v4, v0;
	v1 =	vmul.f32 v1, v4  }
0x9a: {  	v2 =	vmul.f32 v2, v4;
	v3 =	vmul.f32 v3, v4  }
0x9b: {  	v62 =	vld [tilespmem:s24+$0x0];
	v0 =	vadd.f32 v5, v0;
	v1 =	vadd.f32 v6, v1  }
0x9c: {  	v2 =	vadd.f32 v7, v2;
	v3 =	vadd.f32 v8, v3;
	_ =	sdelay $0x1  }
0x9d: {  	v1 =	vsub.f32 v1, v0;
	v3 =	vsub.f32 v3, v2;
	_ =	sdelay $0x1  }
0x9e: {  	s25 =	simm.s32 $0x2800;
	v1 =	vmul.f32 v1, v62;
	v3 =	vmul.f32 v3, v62  }
0x9f: {  	v63 =	vld [tilespmem:s25+$0x0]  }
0xa0: {  	v0 =	vadd.f32 v1, v0;
	v1 =	vadd.f32 v3, v2;
	_ =	sdelay $0x1  }
0xa1: {  	v1 =	vsub.f32 v1, v0;
	_ =	sdelay $0x1  }
0xa2: {  	v1 =	vmul.f32 v1, v63;
	_ =	sdelay $0x1  }
0xa3: {  	v0 =	vadd.f32 v1, v0  }
0xa4: {  	s26 =	simm.s32 $0x7000  }
0xa5: {  	s31 =	simm.s32 $0x10;
	s0 =	simm.s32 $0x5010;
	[tilespmem:s26+$0x0] =	vst v0  }
0xa6: {  	s3 =	sand.u32 $0x7F0, s31;
	v1 =	vld [tilespmem:s0+$0x0]  }
0xa7: {  	v2 =	vld [tilespmem:s3+$0x5800]  }
0xa8: {  	s29 =	simm.s32 $0x20;
	v0 =	vld [tilespmem:s3+$0x6000]  }
.LBB2_7:
0xa9: {  	p0 =	sne.s32 s29, $0x7F0;
	v3 =	vld [tilespmem:s3+$0x6800]  }
0xaa: {  	s28 =	sadd.s32 $0x10, s28  }
0xab: {  	v4 =	vld [tilespmem:s28+$0x0];
	v5 =	vshll.u32 v1, $0x10  }
0xac: {  	v1 =	vand.u32 $0xFFFF0000, v1;
	v6 =	vshll.u32 v2, $0x10;
	v2 =	vand.u32 $0xFFFF0000, v2  }
0xad: {  	v1 =	vsub.f32 v1, v5;
	v2 =	vsub.f32 v2, v6;
	v7 =	vshll.u32 v0, $0x10  }
0xae: {  	v0 =	vand.u32 $0xFFFF0000, v0;
	v8 =	vshll.u32 v3, $0x10;
	v3 =	vand.u32 $0xFFFF0000, v3  }
0xaf: {  	v0 =	vsub.f32 v0, v7;
	v3 =	vsub.f32 v3, v8  }
0xb0: {  	v1 =	vmul.f32 v4, v1;
	v2 =	vmul.f32 v2, v4  }
0xb1: {  	s24 =	sadd.s32 $0x10, s24;
	v0 =	vmul.f32 v0, v4;
	v3 =	vmul.f32 v3, v4  }
0xb2: {  	v4 =	vld [tilespmem:s24+$0x0];
	v1 =	vadd.f32 v5, v1;
	v2 =	vadd.f32 v6, v2  }
0xb3: {  	v0 =	vadd.f32 v7, v0;
	v3 =	vadd.f32 v8, v3;
	_ =	sdelay $0x1  }
0xb4: {  	v2 =	vsub.f32 v2, v1;
	v3 =	vsub.f32 v3, v0;
	_ =	sdelay $0x1  }
0xb5: {  	s25 =	sadd.s32 $0x10, s25;
	v2 =	vmul.f32 v2, v4;
	v3 =	vmul.f32 v3, v4  }
0xb6: {  	v4 =	vld [tilespmem:s25+$0x0]  }
0xb7: {  	v1 =	vadd.f32 v2, v1;
	v0 =	vadd.f32 v3, v0;
	_ =	sdelay $0x1  }
0xb8: {  	v0 =	vsub.f32 v0, v1;
	_ =	sdelay $0x1  }
0xb9: {  	v0 =	vmul.f32 v0, v4;
	_ =	sdelay $0x1  }
0xba: {  	v0 =	vadd.f32 v0, v1  }
.Ltmp2:
0xbb: {  	s26 =	sadd.s32 $0x10, s26;
	(pc) =	sbr.rel @p0 .LBB2_7-.Ltmp2, $4  }
0xbc: {  	s0 =	sadd.s32 $0x10, s0;
	[tilespmem:s26+$0x0] =	vst v0  }
0xbd: {  	s3 =	sand.u32 $0x7F0, s29;
	v1 =	vld [tilespmem:s0+$0x0]  }
0xbe: {  	v2 =	vld [tilespmem:s3+$0x5800]  }
0xbf: {  	s29 =	sadd.s32 $0x10, s29;
	v0 =	vld [tilespmem:s3+$0x6000]  }
0xc0: {  	v3 =	vld [tilespmem:s3+$0x6800]  }
0xc1: {  	s0 =	sadd.s32 $0x10, s28  }
0xc2: {  	v4 =	vld [tilespmem:s0+$0x0];
	v5 =	vshll.u32 v1, $0x10  }
0xc3: {  	v1 =	vand.u32 $0xFFFF0000, v1;
	v6 =	vshll.u32 v2, $0x10;
	v2 =	vand.u32 $0xFFFF0000, v2  }
0xc4: {  	v1 =	vsub.f32 v1, v5;
	v2 =	vsub.f32 v2, v6;
	v7 =	vshll.u32 v0, $0x10  }
0xc5: {  	v0 =	vand.u32 $0xFFFF0000, v0;
	v8 =	vshll.u32 v3, $0x10;
	v3 =	vand.u32 $0xFFFF0000, v3  }
0xc6: {  	v0 =	vsub.f32 v0, v7;
	v3 =	vsub.f32 v3, v8  }
0xc7: {  	v1 =	vmul.f32 v4, v1;
	v2 =	vmul.f32 v2, v4  }
0xc8: {  	s3 =	sadd.s32 $0x10, s24;
	v0 =	vmul.f32 v0, v4;
	v3 =	vmul.f32 v3, v4  }
0xc9: {  	v55 =	vld [tilespmem:s3+$0x0];
	v1 =	vadd.f32 v5, v1;
	v2 =	vadd.f32 v6, v2  }
0xca: {  	v0 =	vadd.f32 v7, v0;
	v3 =	vadd.f32 v8, v3;
	_ =	sdelay $0x1  }
0xcb: {  	v2 =	vsub.f32 v2, v1;
	v3 =	vsub.f32 v3, v0;
	_ =	sdelay $0x1  }
0xcc: {  	s9 =	sadd.s32 $0x10, s25;
	v2 =	vmul.f32 v2, v55;
	v3 =	vmul.f32 v3, v55  }
0xcd: {  	v56 =	vld [tilespmem:s9+$0x0]  }
0xce: {  	v1 =	vadd.f32 v2, v1;
	v0 =	vadd.f32 v3, v0;
	_ =	sdelay $0x1  }
0xcf: {  	v0 =	vsub.f32 v0, v1;
	_ =	sdelay $0x1  }
0xd0: {  	v0 =	vmul.f32 v0, v56;
	_ =	sdelay $0x1  }
0xd1: {  	v0 =	vadd.f32 v0, v1  }
0xd2: {  	s24 =	sadd.s32 $0x10, s26  }
0xd3: {  	s25 =	sadd.s32 s1, s23;
	s26 =	simm.s32 $0x0;
	[tilespmem:s24+$0x0] =	vst v0  }
0xd4: {  	[hbm4b:s25+s26] =	stream.linear.scatter [tilespmem:s17], [sflag:$0x3], $0x800, $0x38;
	[tilespmem:$0xF000] =	vst v63  }
0xd5: {  	_ =	swait.ge [sflag:s10], $0x800  }
0xd6: {  	[sflag:s10] =	ssyncset.done $0x0  }
0xd7: {  	[sflag:s10] =	ssyncadd.s32 $0xFFFFF800  }
0xd8: {  	_ =	swait.ge [sflag:s18], $0x2000  }
0xd9: {  	[sflag:s18] =	ssyncset.done $0x0  }
0xda: {  	s29 =	simm.s32 $0xC800;
	[sflag:s18] =	ssyncadd.s32 $0xFFFFE000  }
0xdb: {  	s30 =	sand.u32 $0x7F0, s26;
	v0 =	vld [tilespmem:s29+$0x0]  }
0xdc: {  	v1 =	vld [tilespmem:s30+$0xD000]  }
0xdd: {  	v2 =	vld [tilespmem:s30+$0xD800]  }
0xde: {  	v3 =	vld [tilespmem:s30+$0xE000];
	_ =	sdelay $0x1  }
0xdf: {  	s25 =	simm.s32 $0x9000  }
0xe0: {  	v57 =	vld [tilespmem:s25+$0x0];
	v58 =	vshll.u32 v0, $0x10  }
0xe1: {  	v0 =	vand.u32 $0xFFFF0000, v0;
	v59 =	vshll.u32 v1, $0x10;
	v1 =	vand.u32 $0xFFFF0000, v1  }
0xe2: {  	v60 =	vshll.u32 v2, $0x10;
	v2 =	vand.u32 $0xFFFF0000, v2;
	v61 =	vshll.u32 v3, $0x10  }
0xe3: {  	v3 =	vand.u32 $0xFFFF0000, v3;
	v0 =	vsub.f32 v0, v58;
	v1 =	vsub.f32 v1, v59  }
0xe4: {  	v2 =	vsub.f32 v2, v60;
	v3 =	vsub.f32 v3, v61  }
0xe5: {  	v0 =	vmul.f32 v57, v0;
	v1 =	vmul.f32 v1, v57  }
0xe6: {  	s23 =	simm.s32 $0x9800;
	v2 =	vmul.f32 v2, v57;
	v3 =	vmul.f32 v3, v57  }
0xe7: {  	v62 =	vld [tilespmem:s23+$0x0];
	v0 =	vadd.f32 v58, v0;
	v1 =	vadd.f32 v59, v1  }
0xe8: {  	v2 =	vadd.f32 v60, v2;
	v3 =	vadd.f32 v61, v3;
	_ =	sdelay $0x1  }
0xe9: {  	v1 =	vsub.f32 v1, v0;
	v3 =	vsub.f32 v3, v2;
	_ =	sdelay $0x1  }
0xea: {  	s24 =	simm.s32 $0xA000;
	v1 =	vmul.f32 v1, v62;
	v3 =	vmul.f32 v3, v62  }
0xeb: {  	v63 =	vld [tilespmem:s24+$0x0]  }
0xec: {  	v0 =	vadd.f32 v1, v0;
	v1 =	vadd.f32 v3, v2;
	_ =	sdelay $0x1  }
0xed: {  	v1 =	vsub.f32 v1, v0;
	_ =	sdelay $0x1  }
0xee: {  	v1 =	vmul.f32 v1, v63;
	_ =	sdelay $0x1  }
0xef: {  	v0 =	vadd.f32 v1, v0  }
0xf0: {  	s26 =	simm.s32 $0xE800  }
0xf1: {  	s31 =	simm.s32 $0x10;
	s0 =	simm.s32 $0xC810;
	[tilespmem:s26+$0x0] =	vst v0  }
0xf2: {  	s3 =	sand.u32 $0x7F0, s31;
	v1 =	vld [tilespmem:s0+$0x0]  }
0xf3: {  	v2 =	vld [tilespmem:s3+$0xD000]  }
0xf4: {  	s28 =	simm.s32 $0x20;
	v0 =	vld [tilespmem:s3+$0xD800]  }
.LBB2_9:
0xf5: {  	p0 =	sne.s32 s28, $0x7F0;
	v3 =	vld [tilespmem:s3+$0xE000]  }
0xf6: {  	s25 =	sadd.s32 $0x10, s25  }
0xf7: {  	v4 =	vld [tilespmem:s25+$0x0];
	v5 =	vshll.u32 v1, $0x10  }
0xf8: {  	v1 =	vand.u32 $0xFFFF0000, v1;
	v6 =	vshll.u32 v2, $0x10;
	v2 =	vand.u32 $0xFFFF0000, v2  }
0xf9: {  	v1 =	vsub.f32 v1, v5;
	v2 =	vsub.f32 v2, v6;
	v7 =	vshll.u32 v0, $0x10  }
0xfa: {  	v0 =	vand.u32 $0xFFFF0000, v0;
	v8 =	vshll.u32 v3, $0x10;
	v3 =	vand.u32 $0xFFFF0000, v3  }
0xfb: {  	v0 =	vsub.f32 v0, v7;
	v3 =	vsub.f32 v3, v8  }
0xfc: {  	v1 =	vmul.f32 v4, v1;
	v2 =	vmul.f32 v2, v4  }
0xfd: {  	s23 =	sadd.s32 $0x10, s23;
	v0 =	vmul.f32 v0, v4;
	v3 =	vmul.f32 v3, v4  }
0xfe: {  	v4 =	vld [tilespmem:s23+$0x0];
	v1 =	vadd.f32 v5, v1;
	v2 =	vadd.f32 v6, v2  }
0xff: {  	v0 =	vadd.f32 v7, v0;
	v3 =	vadd.f32 v8, v3;
	_ =	sdelay $0x1  }
0x100: {  	v2 =	vsub.f32 v2, v1;
	v3 =	vsub.f32 v3, v0;
	_ =	sdelay $0x1  }
0x101: {  	s24 =	sadd.s32 $0x10, s24;
	v2 =	vmul.f32 v2, v4;
	v3 =	vmul.f32 v3, v4  }
0x102: {  	v4 =	vld [tilespmem:s24+$0x0]  }
0x103: {  	v1 =	vadd.f32 v2, v1;
	v0 =	vadd.f32 v3, v0;
	_ =	sdelay $0x1  }
0x104: {  	v0 =	vsub.f32 v0, v1;
	_ =	sdelay $0x1  }
0x105: {  	v0 =	vmul.f32 v0, v4;
	_ =	sdelay $0x1  }
0x106: {  	v0 =	vadd.f32 v0, v1  }
.Ltmp3:
0x107: {  	s26 =	sadd.s32 $0x10, s26;
	(pc) =	sbr.rel @p0 .LBB2_9-.Ltmp3, $4  }
0x108: {  	s0 =	sadd.s32 $0x10, s0;
	[tilespmem:s26+$0x0] =	vst v0  }
0x109: {  	s3 =	sand.u32 $0x7F0, s28;
	v1 =	vld [tilespmem:s0+$0x0]  }
0x10a: {  	v2 =	vld [tilespmem:s3+$0xD000]  }
0x10b: {  	s28 =	sadd.s32 $0x10, s28;
	v0 =	vld [tilespmem:s3+$0xD800]  }
0x10c: {  	v3 =	vld [tilespmem:s3+$0xE000]  }
0x10d: {  	s0 =	sadd.s32 $0x10, s25  }
0x10e: {  	v4 =	vld [tilespmem:s0+$0x0];
	v5 =	vshll.u32 v1, $0x10  }
0x10f: {  	v59 =	vand.u32 $0xFFFF0000, v1;
	v6 =	vshll.u32 v2, $0x10;
	v60 =	vand.u32 $0xFFFF0000, v2  }
0x110: {  	v1 =	vsub.f32 v59, v5;
	v2 =	vsub.f32 v60, v6;
	v7 =	vshll.u32 v0, $0x10  }
0x111: {  	v61 =	vand.u32 $0xFFFF0000, v0;
	v8 =	vshll.u32 v3, $0x10;
	v3 =	vand.u32 $0xFFFF0000, v3  }
0x112: {  	v0 =	vsub.f32 v61, v7;
	v3 =	vsub.f32 v3, v8  }
0x113: {  	v1 =	vmul.f32 v4, v1;
	v2 =	vmul.f32 v2, v4  }
0x114: {  	s28 =	sadd.s32 $0x10, s23;
	v0 =	vmul.f32 v0, v4;
	v3 =	vmul.f32 v3, v4  }
0x115: {  	v62 =	vld [tilespmem:s28+$0x0];
	v1 =	vadd.f32 v5, v1;
	v2 =	vadd.f32 v6, v2  }
0x116: {  	v0 =	vadd.f32 v7, v0;
	v3 =	vadd.f32 v8, v3;
	_ =	sdelay $0x1  }
0x117: {  	v2 =	vsub.f32 v2, v1;
	v3 =	vsub.f32 v3, v0;
	_ =	sdelay $0x1  }
0x118: {  	s29 =	sadd.s32 $0x10, s24;
	v2 =	vmul.f32 v2, v62;
	v3 =	vmul.f32 v3, v62  }
0x119: {  	v63 =	vld [tilespmem:s29+$0x0]  }
0x11a: {  	v1 =	vadd.f32 v2, v1;
	v0 =	vadd.f32 v3, v0;
	_ =	sdelay $0x1  }
0x11b: {  	v0 =	vsub.f32 v0, v1;
	_ =	sdelay $0x1  }
0x11c: {  	v0 =	vmul.f32 v0, v63;
	_ =	sdelay $0x1  }
0x11d: {  	s21 =	sadd.s32 $0x1, s21;
	v0 =	vadd.f32 v0, v1  }
0x11e: {  	s30 =	sadd.s32 $0x10, s26;
	p0 =	sne.s32 s21, $0x4  }
.Ltmp4:
0x11f: {  	s31 =	sadd.s32 s1, s22;
	[tilespmem:s30+$0x0] =	vst v0;
	(pc) =	sbr.rel @p0 .LBB2_2-.Ltmp4, $4  }
0x120: {  	[hbm4b:s31+s2] =	stream.linear.scatter [tilespmem:s19], [sflag:$0x3], $0x800, $0x38;
	[tilespmem:$0xF000] =	vst v63  }
0x121: {  	_ =	swait.ge [sflag:s10], $0x800  }
0x122: {  	[sflag:s10] =	ssyncset.done $0x0  }
0x123: {  	[sflag:s10] =	ssyncadd.s32 $0xFFFFF800  }
0x124: {  	s20 =	sadd.s32 $0x1, s20;
	s0 =	rddreg [dreg:$0x3]  }
0x125: {  	p0 =	sne.s32 s20, s0  }
.Ltmp5:
0x126: {  	_ = 	snop;
	(pc) =	sbr.rel @p0 .LBB2_1-.Ltmp5, $1  }
0x127: {  	_ =	sdelay $0x3  }
0x128: {  	_ =	sfence.sel $0x180000  }
0x129: {  	[bflag:$0x0] =	sbarrier.arrive $0xFFFF  }
0x12a: {  	_ =	strace $0x90000047  }
0x12b: {  	s0 =	stileid.u32;
	[bflag:$0x2] =	sbarrier.arrive $0xFFFF  }
0x12c: {  	p0 =	sne.s32 s0, $0x0;
	s0 =	rddreg [dreg:$0x2]  }
0x12d: {  	s0 =	sadd.s32 @!p0 $0x100000, s0  }
0x12e: {  	[sflag:s0] =	ssyncadd.tile.s32 @!p0 $0x1;
	_ =	shalt  }
.Lfunc_end2:
_tile_overlayer_lowered:
.L_overlay_start_2:
0x12f: {  	(tag) =	ssettag $0x2  }
0x130: {  	s0 =	rddreg [dreg:$0x0];
	s2 =	stileid.u32  }
0x131: {  	s1 =	rddreg [dreg:$0x1];
	p0 =	sne.s32 s2, $0x0  }
0x132: {  	s3 =	rddreg [dreg:$0x2];
	[bflag:$0x3] =	sbarrier.arrive $0xFFFF;
	s2 =	simm.s32 @!p0 $0x1C03  }
0x133: {  	[timem:s3], [sflag:s2] =	dma.local @!p0 [hbm:s0], s1  }
0x134: {  	s0 =	simm.s32 @!p0 $0x3  }
0x135: {  	_ =	swait.ge @!p0 [sflag:s0], s1  }
0x136: {  	s1 =	ssub.s32 @!p0 $0x0, s1;
	[sflag:s0] =	ssyncset.done @!p0 $0x0  }
0x137: {  	[sflag:s0] =	ssyncadd.s32 @!p0 s1  }
0x138: {  	[bflag:$0x3] =	sbarrier.arrive $0xFFFF  }
0x139: {  	_ =	shalt  }

</sc_bundles>
